<compile_context>
chip_gen: v7x
topology: tpu7x:2x2x1
jax: 0.10.2.dev20260603
libtpu: 0.0.44.dev20260713+nightly
codegen_flags: <defaults>
</compile_context>

<pallas_src>
import functools

import jax
import jax.numpy as jnp
from jax import lax
from jax.experimental import pallas as pl
from jax.experimental.pallas import tpu as pltpu
from jax.experimental.pallas import tpu_sc as plsc

BATCH = 16384
EMBED = 64
NUM_LABELS = 16
VOCAB = 1000000
NUM_WORKERS = 32
BPW = BATCH // NUM_WORKERS
CHUNK = 128
NCHUNK = BPW // CHUNK
LANES = 16

TILE_I = 32768
GRID = (VOCAB + TILE_I - 1) // TILE_I
NBLK = (VOCAB + CHUNK - 1) // CHUNK
MROWS = NBLK * NUM_LABELS

_mesh = plsc.VectorSubcoreMesh(core_axis_name="c", subcore_axis_name="s")


def _mm_body(l_ref, wt_ref, out_ref):
    p = lax.dot_general(l_ref[...], wt_ref[...],
                        (((1,), (0,)), ((), ())),
                        preferred_element_type=jnp.float32)
    out_ref[...] = (
        p.reshape(NUM_LABELS, TILE_I // CHUNK, CHUNK)
        .transpose(1, 0, 2)
        .reshape(TILE_I // CHUNK * NUM_LABELS, CHUNK))


_mm = pl.pallas_call(
    _mm_body,
    out_shape=jax.ShapeDtypeStruct((MROWS, CHUNK), jnp.float32),
    grid=(GRID,),
    in_specs=[
        pl.BlockSpec((NUM_LABELS, EMBED), lambda b: (0, 0)),
        pl.BlockSpec((EMBED, TILE_I), lambda b: (0, b)),
    ],
    out_specs=pl.BlockSpec((TILE_I // CHUNK * NUM_LABELS, CHUNK),
                           lambda b: (b, 0)),
)


@functools.partial(
    pl.kernel,
    out_type=jax.ShapeDtypeStruct((BATCH,), jnp.float32),
    mesh=_mesh,
    compiler_params=pltpu.CompilerParams(needs_layout_passes=False,
                                         use_tc_tiling_on_sc=True),
    scratch_types=[
        pltpu.VMEM((NCHUNK, CHUNK), jnp.int32),
        pltpu.VMEM((NCHUNK, CHUNK), jnp.int32),
        pltpu.VMEM((1, BPW), jnp.int32),
        pltpu.VMEM((BPW, CHUNK), jnp.float32),
        pltpu.VMEM((BPW,), jnp.float32),
        pltpu.SemaphoreType.DMA,
    ],
)
def _extract(dataT_hbm, mf_hbm, out_hbm,
             idx_v, ridx_v, lbl_v, rows_v, out_v, sem):
    wid = lax.axis_index("s") * 2 + lax.axis_index("c")
    base = wid * BPW

    for c in range(NCHUNK):
        pltpu.sync_copy(
            dataT_hbm.at[pl.ds(0, 1), pl.ds(base + c * CHUNK, CHUNK)],
            idx_v.at[pl.ds(c, 1)])
    pltpu.sync_copy(dataT_hbm.at[pl.ds(1, 1), pl.ds(base, BPW)], lbl_v)
    for c in range(NCHUNK):
        for g in range(CHUNK // LANES):
            w = idx_v[c, pl.ds(g * LANES, LANES)]
            l = lbl_v.at[0][pl.ds(c * CHUNK + g * LANES, LANES)]
            ridx_v[c, pl.ds(g * LANES, LANES)] = ((w >> 7) << 4) + l
    copies = [
        pltpu.async_copy(
            mf_hbm.at[ridx_v.at[c]],
            rows_v.at[pl.ds(c * CHUNK, CHUNK)],
            sem,
        )
        for c in range(NCHUNK)
    ]
    for cp in copies:
        cp.wait()

    iota = lax.iota(jnp.int32, LANES)

    def group(g, carry):
        gbase = pl.multiple_of(g * LANES, LANES)
        cvec = idx_v.at[g // (CHUNK // LANES)][
            pl.ds((g % (CHUNK // LANES)) * LANES, LANES)] & 127
        acc = jnp.zeros((LANES,), jnp.float32)
        for j in range(LANES):
            cj = cvec[j]
            v = rows_v.at[gbase + j][pl.ds((cj >> 4) << 4, LANES)]
            sel = v.at[jnp.full((LANES,), cj & 15, jnp.int32)].get(
                mode="promise_in_bounds")
            acc = jnp.where(iota == j, sel, acc)
        out_v[pl.ds(gbase, LANES)] = acc
        return carry

    lax.fori_loop(0, BPW // LANES, group, 0)

    pltpu.sync_copy(out_v, out_hbm.at[pl.ds(base, BPW)])


def kernel(data, target, word_embedding, label_embedding):
    del target
    mf = _mm(label_embedding, word_embedding.T)
    return _extract(data.astype(jnp.int32).T, mf)

# --- scband reference (transcript-rebuilt; emitter-appended) ---
"""Pipeline reference for scband-pmimodel-1030792151563 (READ-ONLY COPY).

The authoritative reference and input builder live on the scoring server;
editing this copy changes nothing except your own understanding.
"""

import jax, jax.numpy as jnp
import numpy as np

VOCAB = 1000000
EMBED = 64
NUM_LABELS = 16
BATCH = 16384


def setup_inputs(seed: int = 0) -> dict:
    key = jax.random.key(seed)
    k1, k2, k3, k4 = jax.random.split(key, 4)
    word_idx = jax.random.randint(k1, (BATCH,), 0, VOCAB)
    label_idx = jax.random.randint(k2, (BATCH,), 0, NUM_LABELS)
    data = jnp.stack([word_idx, label_idx], axis=1)
    target = jnp.zeros((BATCH,), dtype=jnp.float32)
    word_embedding = jax.random.uniform(k3, (VOCAB, EMBED), minval=-0.05, maxval=0.05, dtype=jnp.float32)
    label_embedding = jax.random.uniform(k4, (NUM_LABELS, EMBED), minval=-0.05, maxval=0.05, dtype=jnp.float32)
    return {"data": data, "target": target, "word_embedding": word_embedding, "label_embedding": label_embedding}


def reference(data, target, word_embedding, label_embedding):
    # word_vectors = self.word_embedding(data[:, 0])
    word_vectors = jnp.take(word_embedding, data[:, 0], axis=0)
    # label_vectors = self.label_embedding(data[:, 1])
    label_vectors = jnp.take(label_embedding, data[:, 1], axis=0)
    # bmm([B,1,E], [B,E,1]).squeeze() == per-row dot product -> [B]
    output = jnp.sum(word_vectors * label_vectors, axis=-1)
    return output

if __name__ == "__main__":
    import jax
    _d = setup_inputs()
    print(jax.jit(kernel)(*tuple(_d.values())))

</pallas_src>

<mosaic_0001>
#map = affine_map<(d0, d1) -> (0, 0)>
#map1 = affine_map<(d0, d1) -> (0)>
module attributes {stable_mosaic.version = 14 : i64} {
  func.func @_extract(%arg0: i32, %arg1: i32, %arg2: memref<2x16384xi32, #tpu.memory_space<hbm>>, %arg3: memref<125008x128xf32, #tpu.memory_space<hbm>>, %arg4: memref<16384xf32, #tpu.memory_space<hbm>>, %arg5: memref<4x128xi32, #tpu.memory_space<vmem>>, %arg6: memref<4x128xi32, #tpu.memory_space<vmem>>, %arg7: memref<1x512xi32, #tpu.memory_space<vmem>>, %arg8: memref<512x128xf32, #tpu.memory_space<vmem>>, %arg9: memref<512xf32, #tpu.memory_space<vmem>>, %arg10: memref<!tpu.dma_semaphore, #tpu.memory_space<semaphore_mem>>) attributes {dimension_semantics = [#tpu.dimension_semantics<core_parallel>, #tpu.dimension_semantics<subcore_parallel>], iteration_bounds = array<i64: 2, 16>, scalar_prefetch = 0 : i64, scratch_operands = 6 : i64, tpu.core_type = #tpu.core_type<sc_vector_subcore>, window_params = [{transform_indices = #map}, {transform_indices = #map}, {transform_indices = #map1}]} {
    %mul3A = arith.constant 2 : i32
    %mul3A_0 = arith.muli %arg1, %mul3A : i32
    %add3A = arith.addi %mul3A_0, %arg0 : i32
    %mul3A_1 = arith.constant 512 : i32
    %mul3A_2 = arith.muli %add3A, %mul3A_1 : i32
    %add3A_3 = arith.constant 0 : i32
    %add3A_4 = arith.addi %mul3A_2, %add3A_3 : i32
    "tpu.region"() ({
      %run_scoped3A = tpu.sem_alloc : memref<!tpu.dma_semaphore, #tpu.memory_space<semaphore_mem>>
      %dma_start3A_762 = arith.constant 0 : i32
      %dma_start3A_763 = arith.constant 0 : i32
      %dma_start3A_764 = tpu.memref_slice %arg5[%dma_start3A_762, %dma_start3A_763] : memref<4x128xi32, #tpu.memory_space<vmem>> -> memref<1x128xi32, #tpu.memory_space<vmem>>
      %dma_start3A_765 = arith.constant 0 : i32
      %dma_start3A_766 = tpu.memref_slice %arg2[%dma_start3A_765, %add3A_4] : memref<2x16384xi32, #tpu.memory_space<hbm>> -> memref<1x128xi32, #tpu.memory_space<hbm>>
      %dma_start3A_767 = arith.constant 0 : i32
      %dma_start3A_768 = arith.constant 0 : i32
      %dma_start3A_769 = tpu.memref_slice %arg5[%dma_start3A_767, %dma_start3A_768] : memref<4x128xi32, #tpu.memory_space<vmem>> -> memref<1x128xi32, #tpu.memory_space<vmem>>
      %dma_start3A_770 = arith.constant 0 : i32
      %dma_start3A_771 = tpu.memref_slice %arg2[%dma_start3A_770, %add3A_4] : memref<2x16384xi32, #tpu.memory_space<hbm>> -> memref<1x128xi32, #tpu.memory_space<hbm>>
      tpu.enqueue_dma source(%dma_start3A_771 : memref<1x128xi32, #tpu.memory_space<hbm>>) target(%dma_start3A_769 : memref<1x128xi32, #tpu.memory_space<vmem>>) target_semaphore(%run_scoped3A : memref<!tpu.dma_semaphore, #tpu.memory_space<semaphore_mem>>)
      %dma_wait3A_772 = arith.constant 0 : i32
      %dma_wait3A_773 = arith.constant 0 : i32
      %dma_wait3A_774 = tpu.memref_slice %arg5[%dma_wait3A_772, %dma_wait3A_773] : memref<4x128xi32, #tpu.memory_space<vmem>> -> memref<1x128xi32, #tpu.memory_space<vmem>>
      %dma_wait3A_775 = arith.constant 0 : i32
      %dma_wait3A_776 = tpu.memref_slice %arg2[%dma_wait3A_775, %add3A_4] : memref<2x16384xi32, #tpu.memory_space<hbm>> -> memref<1x128xi32, #tpu.memory_space<hbm>>
      %dma_wait3A_777 = arith.constant 0 : i32
      %dma_wait3A_778 = arith.constant 0 : i32
      %dma_wait3A_779 = tpu.memref_slice %arg5[%dma_wait3A_777, %dma_wait3A_778] : memref<4x128xi32, #tpu.memory_space<vmem>> -> memref<1x128xi32, #tpu.memory_space<vmem>>
      %dma_wait3A_780 = arith.constant 0 : i32
      %dma_wait3A_781 = tpu.memref_slice %arg2[%dma_wait3A_780, %add3A_4] : memref<2x16384xi32, #tpu.memory_space<hbm>> -> memref<1x128xi32, #tpu.memory_space<hbm>>
      tpu.wait_dma2 semaphore(%run_scoped3A : memref<!tpu.dma_semaphore, #tpu.memory_space<semaphore_mem>>) src(%dma_wait3A_781 : memref<1x128xi32, #tpu.memory_space<hbm>>) dst(%dma_wait3A_779 : memref<1x128xi32, #tpu.memory_space<vmem>>)
      tpu.yield
    }) : () -> ()
    %add3A_5 = arith.constant 128 : i32
    %add3A_6 = arith.addi %mul3A_2, %add3A_5 : i32
    "tpu.region"() ({
      %run_scoped3A = tpu.sem_alloc : memref<!tpu.dma_semaphore, #tpu.memory_space<semaphore_mem>>
      %dma_start3A_762 = arith.constant 1 : i32
      %dma_start3A_763 = arith.constant 0 : i32
      %dma_start3A_764 = tpu.memref_slice %arg5[%dma_start3A_762, %dma_start3A_763] : memref<4x128xi32, #tpu.memory_space<vmem>> -> memref<1x128xi32, #tpu.memory_space<vmem>>
      %dma_start3A_765 = arith.constant 0 : i32
      %dma_start3A_766 = tpu.memref_slice %arg2[%dma_start3A_765, %add3A_6] : memref<2x16384xi32, #tpu.memory_space<hbm>> -> memref<1x128xi32, #tpu.memory_space<hbm>>
      %dma_start3A_767 = arith.constant 1 : i32
      %dma_start3A_768 = arith.constant 0 : i32
      %dma_start3A_769 = tpu.memref_slice %arg5[%dma_start3A_767, %dma_start3A_768] : memref<4x128xi32, #tpu.memory_space<vmem>> -> memref<1x128xi32, #tpu.memory_space<vmem>>
      %dma_start3A_770 = arith.constant 0 : i32
      %dma_start3A_771 = tpu.memref_slice %arg2[%dma_start3A_770, %add3A_6] : memref<2x16384xi32, #tpu.memory_space<hbm>> -> memref<1x128xi32, #tpu.memory_space<hbm>>
      tpu.enqueue_dma source(%dma_start3A_771 : memref<1x128xi32, #tpu.memory_space<hbm>>) target(%dma_start3A_769 : memref<1x128xi32, #tpu.memory_space<vmem>>) target_semaphore(%run_scoped3A : memref<!tpu.dma_semaphore, #tpu.memory_space<semaphore_mem>>)
      %dma_wait3A_772 = arith.constant 1 : i32
      %dma_wait3A_773 = arith.constant 0 : i32
      %dma_wait3A_774 = tpu.memref_slice %arg5[%dma_wait3A_772, %dma_wait3A_773] : memref<4x128xi32, #tpu.memory_space<vmem>> -> memref<1x128xi32, #tpu.memory_space<vmem>>
      %dma_wait3A_775 = arith.constant 0 : i32
      %dma_wait3A_776 = tpu.memref_slice %arg2[%dma_wait3A_775, %add3A_6] : memref<2x16384xi32, #tpu.memory_space<hbm>> -> memref<1x128xi32, #tpu.memory_space<hbm>>
      %dma_wait3A_777 = arith.constant 1 : i32
      %dma_wait3A_778 = arith.constant 0 : i32
      %dma_wait3A_779 = tpu.memref_slice %arg5[%dma_wait3A_777, %dma_wait3A_778] : memref<4x128xi32, #tpu.memory_space<vmem>> -> memref<1x128xi32, #tpu.memory_space<vmem>>
      %dma_wait3A_780 = arith.constant 0 : i32
      %dma_wait3A_781 = tpu.memref_slice %arg2[%dma_wait3A_780, %add3A_6] : memref<2x16384xi32, #tpu.memory_space<hbm>> -> memref<1x128xi32, #tpu.memory_space<hbm>>
      tpu.wait_dma2 semaphore(%run_scoped3A : memref<!tpu.dma_semaphore, #tpu.memory_space<semaphore_mem>>) src(%dma_wait3A_781 : memref<1x128xi32, #tpu.memory_space<hbm>>) dst(%dma_wait3A_779 : memref<1x128xi32, #tpu.memory_space<vmem>>)
      tpu.yield
    }) : () -> ()
    %add3A_7 = arith.constant 256 : i32
    %add3A_8 = arith.addi %mul3A_2, %add3A_7 : i32
    "tpu.region"() ({
      %run_scoped3A = tpu.sem_alloc : memref<!tpu.dma_semaphore, #tpu.memory_space<semaphore_mem>>
      %dma_start3A_762 = arith.constant 2 : i32
      %dma_start3A_763 = arith.constant 0 : i32
      %dma_start3A_764 = tpu.memref_slice %arg5[%dma_start3A_762, %dma_start3A_763] : memref<4x128xi32, #tpu.memory_space<vmem>> -> memref<1x128xi32, #tpu.memory_space<vmem>>
      %dma_start3A_765 = arith.constant 0 : i32
      %dma_start3A_766 = tpu.memref_slice %arg2[%dma_start3A_765, %add3A_8] : memref<2x16384xi32, #tpu.memory_space<hbm>> -> memref<1x128xi32, #tpu.memory_space<hbm>>
      %dma_start3A_767 = arith.constant 2 : i32
      %dma_start3A_768 = arith.constant 0 : i32
      %dma_start3A_769 = tpu.memref_slice %arg5[%dma_start3A_767, %dma_start3A_768] : memref<4x128xi32, #tpu.memory_space<vmem>> -> memref<1x128xi32, #tpu.memory_space<vmem>>
      %dma_start3A_770 = arith.constant 0 : i32
      %dma_start3A_771 = tpu.memref_slice %arg2[%dma_start3A_770, %add3A_8] : memref<2x16384xi32, #tpu.memory_space<hbm>> -> memref<1x128xi32, #tpu.memory_space<hbm>>
      tpu.enqueue_dma source(%dma_start3A_771 : memref<1x128xi32, #tpu.memory_space<hbm>>) target(%dma_start3A_769 : memref<1x128xi32, #tpu.memory_space<vmem>>) target_semaphore(%run_scoped3A : memref<!tpu.dma_semaphore, #tpu.memory_space<semaphore_mem>>)
      %dma_wait3A_772 = arith.constant 2 : i32
      %dma_wait3A_773 = arith.constant 0 : i32
      %dma_wait3A_774 = tpu.memref_slice %arg5[%dma_wait3A_772, %dma_wait3A_773] : memref<4x128xi32, #tpu.memory_space<vmem>> -> memref<1x128xi32, #tpu.memory_space<vmem>>
      %dma_wait3A_775 = arith.constant 0 : i32
      %dma_wait3A_776 = tpu.memref_slice %arg2[%dma_wait3A_775, %add3A_8] : memref<2x16384xi32, #tpu.memory_space<hbm>> -> memref<1x128xi32, #tpu.memory_space<hbm>>
      %dma_wait3A_777 = arith.constant 2 : i32
      %dma_wait3A_778 = arith.constant 0 : i32
      %dma_wait3A_779 = tpu.memref_slice %arg5[%dma_wait3A_777, %dma_wait3A_778] : memref<4x128xi32, #tpu.memory_space<vmem>> -> memref<1x128xi32, #tpu.memory_space<vmem>>
      %dma_wait3A_780 = arith.constant 0 : i32
      %dma_wait3A_781 = tpu.memref_slice %arg2[%dma_wait3A_780, %add3A_8] : memref<2x16384xi32, #tpu.memory_space<hbm>> -> memref<1x128xi32, #tpu.memory_space<hbm>>
      tpu.wait_dma2 semaphore(%run_scoped3A : memref<!tpu.dma_semaphore, #tpu.memory_space<semaphore_mem>>) src(%dma_wait3A_781 : memref<1x128xi32, #tpu.memory_space<hbm>>) dst(%dma_wait3A_779 : memref<1x128xi32, #tpu.memory_space<vmem>>)
      tpu.yield
    }) : () -> ()
    %add3A_9 = arith.constant 384 : i32
    %add3A_10 = arith.addi %mul3A_2, %add3A_9 : i32
    "tpu.region"() ({
      %run_scoped3A = tpu.sem_alloc : memref<!tpu.dma_semaphore, #tpu.memory_space<semaphore_mem>>
      %dma_start3A_762 = arith.constant 3 : i32
      %dma_start3A_763 = arith.constant 0 : i32
      %dma_start3A_764 = tpu.memref_slice %arg5[%dma_start3A_762, %dma_start3A_763] : memref<4x128xi32, #tpu.memory_space<vmem>> -> memref<1x128xi32, #tpu.memory_space<vmem>>
      %dma_start3A_765 = arith.constant 0 : i32
      %dma_start3A_766 = tpu.memref_slice %arg2[%dma_start3A_765, %add3A_10] : memref<2x16384xi32, #tpu.memory_space<hbm>> -> memref<1x128xi32, #tpu.memory_space<hbm>>
      %dma_start3A_767 = arith.constant 3 : i32
      %dma_start3A_768 = arith.constant 0 : i32
      %dma_start3A_769 = tpu.memref_slice %arg5[%dma_start3A_767, %dma_start3A_768] : memref<4x128xi32, #tpu.memory_space<vmem>> -> memref<1x128xi32, #tpu.memory_space<vmem>>
      %dma_start3A_770 = arith.constant 0 : i32
      %dma_start3A_771 = tpu.memref_slice %arg2[%dma_start3A_770, %add3A_10] : memref<2x16384xi32, #tpu.memory_space<hbm>> -> memref<1x128xi32, #tpu.memory_space<hbm>>
      tpu.enqueue_dma source(%dma_start3A_771 : memref<1x128xi32, #tpu.memory_space<hbm>>) target(%dma_start3A_769 : memref<1x128xi32, #tpu.memory_space<vmem>>) target_semaphore(%run_scoped3A : memref<!tpu.dma_semaphore, #tpu.memory_space<semaphore_mem>>)
      %dma_wait3A_772 = arith.constant 3 : i32
      %dma_wait3A_773 = arith.constant 0 : i32
      %dma_wait3A_774 = tpu.memref_slice %arg5[%dma_wait3A_772, %dma_wait3A_773] : memref<4x128xi32, #tpu.memory_space<vmem>> -> memref<1x128xi32, #tpu.memory_space<vmem>>
      %dma_wait3A_775 = arith.constant 0 : i32
      %dma_wait3A_776 = tpu.memref_slice %arg2[%dma_wait3A_775, %add3A_10] : memref<2x16384xi32, #tpu.memory_space<hbm>> -> memref<1x128xi32, #tpu.memory_space<hbm>>
      %dma_wait3A_777 = arith.constant 3 : i32
      %dma_wait3A_778 = arith.constant 0 : i32
      %dma_wait3A_779 = tpu.memref_slice %arg5[%dma_wait3A_777, %dma_wait3A_778] : memref<4x128xi32, #tpu.memory_space<vmem>> -> memref<1x128xi32, #tpu.memory_space<vmem>>
      %dma_wait3A_780 = arith.constant 0 : i32
      %dma_wait3A_781 = tpu.memref_slice %arg2[%dma_wait3A_780, %add3A_10] : memref<2x16384xi32, #tpu.memory_space<hbm>> -> memref<1x128xi32, #tpu.memory_space<hbm>>
      tpu.wait_dma2 semaphore(%run_scoped3A : memref<!tpu.dma_semaphore, #tpu.memory_space<semaphore_mem>>) src(%dma_wait3A_781 : memref<1x128xi32, #tpu.memory_space<hbm>>) dst(%dma_wait3A_779 : memref<1x128xi32, #tpu.memory_space<vmem>>)
      tpu.yield
    }) : () -> ()
    "tpu.region"() ({
      %run_scoped3A = tpu.sem_alloc : memref<!tpu.dma_semaphore, #tpu.memory_space<semaphore_mem>>
      %dma_start3A_762 = arith.constant 1 : i32
      %dma_start3A_763 = tpu.memref_slice %arg2[%dma_start3A_762, %mul3A_2] : memref<2x16384xi32, #tpu.memory_space<hbm>> -> memref<1x512xi32, #tpu.memory_space<hbm>>
      %dma_start3A_764 = arith.constant 1 : i32
      %dma_start3A_765 = tpu.memref_slice %arg2[%dma_start3A_764, %mul3A_2] : memref<2x16384xi32, #tpu.memory_space<hbm>> -> memref<1x512xi32, #tpu.memory_space<hbm>>
      tpu.enqueue_dma source(%dma_start3A_765 : memref<1x512xi32, #tpu.memory_space<hbm>>) target(%arg7 : memref<1x512xi32, #tpu.memory_space<vmem>>) target_semaphore(%run_scoped3A : memref<!tpu.dma_semaphore, #tpu.memory_space<semaphore_mem>>)
      %dma_wait3A_766 = arith.constant 1 : i32
      %dma_wait3A_767 = tpu.memref_slice %arg2[%dma_wait3A_766, %mul3A_2] : memref<2x16384xi32, #tpu.memory_space<hbm>> -> memref<1x512xi32, #tpu.memory_space<hbm>>
      %dma_wait3A_768 = arith.constant 1 : i32
      %dma_wait3A_769 = tpu.memref_slice %arg2[%dma_wait3A_768, %mul3A_2] : memref<2x16384xi32, #tpu.memory_space<hbm>> -> memref<1x512xi32, #tpu.memory_space<hbm>>
      tpu.wait_dma2 semaphore(%run_scoped3A : memref<!tpu.dma_semaphore, #tpu.memory_space<semaphore_mem>>) src(%dma_wait3A_769 : memref<1x512xi32, #tpu.memory_space<hbm>>) dst(%arg7 : memref<1x512xi32, #tpu.memory_space<vmem>>)
      tpu.yield
    }) : () -> ()
    %get3A = arith.constant 0 : i32
    %get3A_11 = arith.index_cast %get3A : i32 to index
    %get3A_12 = arith.constant 0 : index
    %get3A_13 = tpu.vector_load %arg5[%get3A_11, %get3A_12] {strides = array<i32>} : memref<4x128xi32, #tpu.memory_space<vmem>>, vector<16xi32>,
    %get3A_14 = arith.constant 0 : i32
    %get3A_15 = arith.constant 0 : i32
    %get3A_16 = tpu.memref_slice %arg7[%get3A_14, %get3A_15] : memref<1x512xi32, #tpu.memory_space<vmem>> -> memref<1x512xi32, #tpu.memory_space<vmem>>
    %get3A_17 = tpu.memref_squeeze %get3A_16 : memref<1x512xi32, #tpu.memory_space<vmem>> -> memref<512xi32, #tpu.memory_space<vmem>>
    %get3A_18 = arith.constant 0 : index
    %get3A_19 = tpu.vector_load %get3A_17[%get3A_18] {strides = array<i32>} : memref<512xi32, #tpu.memory_space<vmem>>, vector<16xi32>,
    %shift_right_arithmetic3A = arith.constant 7 : i32
    %shift_right_arithmetic3A_20 = vector.broadcast %shift_right_arithmetic3A : i32 to vector<16xi32>
    %shift_right_arithmetic3A_21 = arith.shrsi %get3A_13, %shift_right_arithmetic3A_20 : vector<16xi32>
    %shift_left3A = arith.constant 4 : i32
    %shift_left3A_22 = vector.broadcast %shift_left3A : i32 to vector<16xi32>
    %shift_left3A_23 = arith.shli %shift_right_arithmetic3A_21, %shift_left3A_22 : vector<16xi32>
    %add3A_24 = arith.addi %shift_left3A_23, %get3A_19 : vector<16xi32>
    %swap3A = arith.constant 0 : i32
    %swap3A_25 = arith.index_cast %swap3A : i32 to index
    %swap3A_26 = arith.constant 0 : index
    %swap3A_27 = tpu.vector_load %arg6[%swap3A_25, %swap3A_26] {strides = array<i32>} : memref<4x128xi32, #tpu.memory_space<vmem>>, vector<16xi32>,
    tpu.vector_store %arg6[%swap3A_25, %swap3A_26], %add3A_24 {strides = array<i32>} : memref<4x128xi32, #tpu.memory_space<vmem>>, vector<16xi32>,
    %get3A_28 = arith.constant 0 : i32
    %get3A_29 = arith.index_cast %get3A_28 : i32 to index
    %get3A_30 = arith.constant 16 : index
    %get3A_31 = tpu.vector_load %arg5[%get3A_29, %get3A_30] {strides = array<i32>} : memref<4x128xi32, #tpu.memory_space<vmem>>, vector<16xi32>,
    %get3A_32 = arith.constant 0 : i32
    %get3A_33 = arith.constant 0 : i32
    %get3A_34 = tpu.memref_slice %arg7[%get3A_32, %get3A_33] : memref<1x512xi32, #tpu.memory_space<vmem>> -> memref<1x512xi32, #tpu.memory_space<vmem>>
    %get3A_35 = tpu.memref_squeeze %get3A_34 : memref<1x512xi32, #tpu.memory_space<vmem>> -> memref<512xi32, #tpu.memory_space<vmem>>
    %get3A_36 = arith.constant 16 : index
    %get3A_37 = tpu.vector_load %get3A_35[%get3A_36] {strides = array<i32>} : memref<512xi32, #tpu.memory_space<vmem>>, vector<16xi32>,
    %shift_right_arithmetic3A_38 = arith.constant 7 : i32
    %shift_right_arithmetic3A_39 = vector.broadcast %shift_right_arithmetic3A_38 : i32 to vector<16xi32>
    %shift_right_arithmetic3A_40 = arith.shrsi %get3A_31, %shift_right_arithmetic3A_39 : vector<16xi32>
    %shift_left3A_41 = arith.constant 4 : i32
    %shift_left3A_42 = vector.broadcast %shift_left3A_41 : i32 to vector<16xi32>
    %shift_left3A_43 = arith.shli %shift_right_arithmetic3A_40, %shift_left3A_42 : vector<16xi32>
    %add3A_44 = arith.addi %shift_left3A_43, %get3A_37 : vector<16xi32>
    %swap3A_45 = arith.constant 0 : i32
    %swap3A_46 = arith.index_cast %swap3A_45 : i32 to index
    %swap3A_47 = arith.constant 16 : index
    %swap3A_48 = tpu.vector_load %arg6[%swap3A_46, %swap3A_47] {strides = array<i32>} : memref<4x128xi32, #tpu.memory_space<vmem>>, vector<16xi32>,
    tpu.vector_store %arg6[%swap3A_46, %swap3A_47], %add3A_44 {strides = array<i32>} : memref<4x128xi32, #tpu.memory_space<vmem>>, vector<16xi32>,
    %get3A_49 = arith.constant 0 : i32
    %get3A_50 = arith.index_cast %get3A_49 : i32 to index
    %get3A_51 = arith.constant 32 : index
    %get3A_52 = tpu.vector_load %arg5[%get3A_50, %get3A_51] {strides = array<i32>} : memref<4x128xi32, #tpu.memory_space<vmem>>, vector<16xi32>,
    %get3A_53 = arith.constant 0 : i32
    %get3A_54 = arith.constant 0 : i32
    %get3A_55 = tpu.memref_slice %arg7[%get3A_53, %get3A_54] : memref<1x512xi32, #tpu.memory_space<vmem>> -> memref<1x512xi32, #tpu.memory_space<vmem>>
    %get3A_56 = tpu.memref_squeeze %get3A_55 : memref<1x512xi32, #tpu.memory_space<vmem>> -> memref<512xi32, #tpu.memory_space<vmem>>
    %get3A_57 = arith.constant 32 : index
    %get3A_58 = tpu.vector_load %get3A_56[%get3A_57] {strides = array<i32>} : memref<512xi32, #tpu.memory_space<vmem>>, vector<16xi32>,
    %shift_right_arithmetic3A_59 = arith.constant 7 : i32
    %shift_right_arithmetic3A_60 = vector.broadcast %shift_right_arithmetic3A_59 : i32 to vector<16xi32>
    %shift_right_arithmetic3A_61 = arith.shrsi %get3A_52, %shift_right_arithmetic3A_60 : vector<16xi32>
    %shift_left3A_62 = arith.constant 4 : i32
    %shift_left3A_63 = vector.broadcast %shift_left3A_62 : i32 to vector<16xi32>
    %shift_left3A_64 = arith.shli %shift_right_arithmetic3A_61, %shift_left3A_63 : vector<16xi32>
    %add3A_65 = arith.addi %shift_left3A_64, %get3A_58 : vector<16xi32>
    %swap3A_66 = arith.constant 0 : i32
    %swap3A_67 = arith.index_cast %swap3A_66 : i32 to index
    %swap3A_68 = arith.constant 32 : index
    %swap3A_69 = tpu.vector_load %arg6[%swap3A_67, %swap3A_68] {strides = array<i32>} : memref<4x128xi32, #tpu.memory_space<vmem>>, vector<16xi32>,
    tpu.vector_store %arg6[%swap3A_67, %swap3A_68], %add3A_65 {strides = array<i32>} : memref<4x128xi32, #tpu.memory_space<vmem>>, vector<16xi32>,
    %get3A_70 = arith.constant 0 : i32
    %get3A_71 = arith.index_cast %get3A_70 : i32 to index
    %get3A_72 = arith.constant 48 : index
    %get3A_73 = tpu.vector_load %arg5[%get3A_71, %get3A_72] {strides = array<i32>} : memref<4x128xi32, #tpu.memory_space<vmem>>, vector<16xi32>,
    %get3A_74 = arith.constant 0 : i32
    %get3A_75 = arith.constant 0 : i32
    %get3A_76 = tpu.memref_slice %arg7[%get3A_74, %get3A_75] : memref<1x512xi32, #tpu.memory_space<vmem>> -> memref<1x512xi32, #tpu.memory_space<vmem>>
    %get3A_77 = tpu.memref_squeeze %get3A_76 : memref<1x512xi32, #tpu.memory_space<vmem>> -> memref<512xi32, #tpu.memory_space<vmem>>
    %get3A_78 = arith.constant 48 : index
    %get3A_79 = tpu.vector_load %get3A_77[%get3A_78] {strides = array<i32>} : memref<512xi32, #tpu.memory_space<vmem>>, vector<16xi32>,
    %shift_right_arithmetic3A_80 = arith.constant 7 : i32
    %shift_right_arithmetic3A_81 = vector.broadcast %shift_right_arithmetic3A_80 : i32 to vector<16xi32>
    %shift_right_arithmetic3A_82 = arith.shrsi %get3A_73, %shift_right_arithmetic3A_81 : vector<16xi32>
    %shift_left3A_83 = arith.constant 4 : i32
    %shift_left3A_84 = vector.broadcast %shift_left3A_83 : i32 to vector<16xi32>
    %shift_left3A_85 = arith.shli %shift_right_arithmetic3A_82, %shift_left3A_84 : vector<16xi32>
    %add3A_86 = arith.addi %shift_left3A_85, %get3A_79 : vector<16xi32>
    %swap3A_87 = arith.constant 0 : i32
    %swap3A_88 = arith.index_cast %swap3A_87 : i32 to index
    %swap3A_89 = arith.constant 48 : index
    %swap3A_90 = tpu.vector_load %arg6[%swap3A_88, %swap3A_89] {strides = array<i32>} : memref<4x128xi32, #tpu.memory_space<vmem>>, vector<16xi32>,
    tpu.vector_store %arg6[%swap3A_88, %swap3A_89], %add3A_86 {strides = array<i32>} : memref<4x128xi32, #tpu.memory_space<vmem>>, vector<16xi32>,
    %get3A_91 = arith.constant 0 : i32
    %get3A_92 = arith.index_cast %get3A_91 : i32 to index
    %get3A_93 = arith.constant 64 : index
    %get3A_94 = tpu.vector_load %arg5[%get3A_92, %get3A_93] {strides = array<i32>} : memref<4x128xi32, #tpu.memory_space<vmem>>, vector<16xi32>,
    %get3A_95 = arith.constant 0 : i32
    %get3A_96 = arith.constant 0 : i32
    %get3A_97 = tpu.memref_slice %arg7[%get3A_95, %get3A_96] : memref<1x512xi32, #tpu.memory_space<vmem>> -> memref<1x512xi32, #tpu.memory_space<vmem>>
    %get3A_98 = tpu.memref_squeeze %get3A_97 : memref<1x512xi32, #tpu.memory_space<vmem>> -> memref<512xi32, #tpu.memory_space<vmem>>
    %get3A_99 = arith.constant 64 : index
    %get3A_100 = tpu.vector_load %get3A_98[%get3A_99] {strides = array<i32>} : memref<512xi32, #tpu.memory_space<vmem>>, vector<16xi32>,
    %shift_right_arithmetic3A_101 = arith.constant 7 : i32
    %shift_right_arithmetic3A_102 = vector.broadcast %shift_right_arithmetic3A_101 : i32 to vector<16xi32>
    %shift_right_arithmetic3A_103 = arith.shrsi %get3A_94, %shift_right_arithmetic3A_102 : vector<16xi32>
    %shift_left3A_104 = arith.constant 4 : i32
    %shift_left3A_105 = vector.broadcast %shift_left3A_104 : i32 to vector<16xi32>
    %shift_left3A_106 = arith.shli %shift_right_arithmetic3A_103, %shift_left3A_105 : vector<16xi32>
    %add3A_107 = arith.addi %shift_left3A_106, %get3A_100 : vector<16xi32>
    %swap3A_108 = arith.constant 0 : i32
    %swap3A_109 = arith.index_cast %swap3A_108 : i32 to index
    %swap3A_110 = arith.constant 64 : index
    %swap3A_111 = tpu.vector_load %arg6[%swap3A_109, %swap3A_110] {strides = array<i32>} : memref<4x128xi32, #tpu.memory_space<vmem>>, vector<16xi32>,
    tpu.vector_store %arg6[%swap3A_109, %swap3A_110], %add3A_107 {strides = array<i32>} : memref<4x128xi32, #tpu.memory_space<vmem>>, vector<16xi32>,
    %get3A_112 = arith.constant 0 : i32
    %get3A_113 = arith.index_cast %get3A_112 : i32 to index
    %get3A_114 = arith.constant 80 : index
    %get3A_115 = tpu.vector_load %arg5[%get3A_113, %get3A_114] {strides = array<i32>} : memref<4x128xi32, #tpu.memory_space<vmem>>, vector<16xi32>,
    %get3A_116 = arith.constant 0 : i32
    %get3A_117 = arith.constant 0 : i32
    %get3A_118 = tpu.memref_slice %arg7[%get3A_116, %get3A_117] : memref<1x512xi32, #tpu.memory_space<vmem>> -> memref<1x512xi32, #tpu.memory_space<vmem>>
    %get3A_119 = tpu.memref_squeeze %get3A_118 : memref<1x512xi32, #tpu.memory_space<vmem>> -> memref<512xi32, #tpu.memory_space<vmem>>
    %get3A_120 = arith.constant 80 : index
    %get3A_121 = tpu.vector_load %get3A_119[%get3A_120] {strides = array<i32>} : memref<512xi32, #tpu.memory_space<vmem>>, vector<16xi32>,
    %shift_right_arithmetic3A_122 = arith.constant 7 : i32
    %shift_right_arithmetic3A_123 = vector.broadcast %shift_right_arithmetic3A_122 : i32 to vector<16xi32>
    %shift_right_arithmetic3A_124 = arith.shrsi %get3A_115, %shift_right_arithmetic3A_123 : vector<16xi32>
    %shift_left3A_125 = arith.constant 4 : i32
    %shift_left3A_126 = vector.broadcast %shift_left3A_125 : i32 to vector<16xi32>
    %shift_left3A_127 = arith.shli %shift_right_arithmetic3A_124, %shift_left3A_126 : vector<16xi32>
    %add3A_128 = arith.addi %shift_left3A_127, %get3A_121 : vector<16xi32>
    %swap3A_129 = arith.constant 0 : i32
    %swap3A_130 = arith.index_cast %swap3A_129 : i32 to index
    %swap3A_131 = arith.constant 80 : index
    %swap3A_132 = tpu.vector_load %arg6[%swap3A_130, %swap3A_131] {strides = array<i32>} : memref<4x128xi32, #tpu.memory_space<vmem>>, vector<16xi32>,
    tpu.vector_store %arg6[%swap3A_130, %swap3A_131], %add3A_128 {strides = array<i32>} : memref<4x128xi32, #tpu.memory_space<vmem>>, vector<16xi32>,
    %get3A_133 = arith.constant 0 : i32
    %get3A_134 = arith.index_cast %get3A_133 : i32 to index
    %get3A_135 = arith.constant 96 : index
    %get3A_136 = tpu.vector_load %arg5[%get3A_134, %get3A_135] {strides = array<i32>} : memref<4x128xi32, #tpu.memory_space<vmem>>, vector<16xi32>,
    %get3A_137 = arith.constant 0 : i32
    %get3A_138 = arith.constant 0 : i32
    %get3A_139 = tpu.memref_slice %arg7[%get3A_137, %get3A_138] : memref<1x512xi32, #tpu.memory_space<vmem>> -> memref<1x512xi32, #tpu.memory_space<vmem>>
    %get3A_140 = tpu.memref_squeeze %get3A_139 : memref<1x512xi32, #tpu.memory_space<vmem>> -> memref<512xi32, #tpu.memory_space<vmem>>
    %get3A_141 = arith.constant 96 : index
    %get3A_142 = tpu.vector_load %get3A_140[%get3A_141] {strides = array<i32>} : memref<512xi32, #tpu.memory_space<vmem>>, vector<16xi32>,
    %shift_right_arithmetic3A_143 = arith.constant 7 : i32
    %shift_right_arithmetic3A_144 = vector.broadcast %shift_right_arithmetic3A_143 : i32 to vector<16xi32>
    %shift_right_arithmetic3A_145 = arith.shrsi %get3A_136, %shift_right_arithmetic3A_144 : vector<16xi32>
    %shift_left3A_146 = arith.constant 4 : i32
    %shift_left3A_147 = vector.broadcast %shift_left3A_146 : i32 to vector<16xi32>
    %shift_left3A_148 = arith.shli %shift_right_arithmetic3A_145, %shift_left3A_147 : vector<16xi32>
    %add3A_149 = arith.addi %shift_left3A_148, %get3A_142 : vector<16xi32>
    %swap3A_150 = arith.constant 0 : i32
    %swap3A_151 = arith.index_cast %swap3A_150 : i32 to index
    %swap3A_152 = arith.constant 96 : index
    %swap3A_153 = tpu.vector_load %arg6[%swap3A_151, %swap3A_152] {strides = array<i32>} : memref<4x128xi32, #tpu.memory_space<vmem>>, vector<16xi32>,
    tpu.vector_store %arg6[%swap3A_151, %swap3A_152], %add3A_149 {strides = array<i32>} : memref<4x128xi32, #tpu.memory_space<vmem>>, vector<16xi32>,
    %get3A_154 = arith.constant 0 : i32
    %get3A_155 = arith.index_cast %get3A_154 : i32 to index
    %get3A_156 = arith.constant 112 : index
    %get3A_157 = tpu.vector_load %arg5[%get3A_155, %get3A_156] {strides = array<i32>} : memref<4x128xi32, #tpu.memory_space<vmem>>, vector<16xi32>,
    %get3A_158 = arith.constant 0 : i32
    %get3A_159 = arith.constant 0 : i32
    %get3A_160 = tpu.memref_slice %arg7[%get3A_158, %get3A_159] : memref<1x512xi32, #tpu.memory_space<vmem>> -> memref<1x512xi32, #tpu.memory_space<vmem>>
    %get3A_161 = tpu.memref_squeeze %get3A_160 : memref<1x512xi32, #tpu.memory_space<vmem>> -> memref<512xi32, #tpu.memory_space<vmem>>
    %get3A_162 = arith.constant 112 : index
    %get3A_163 = tpu.vector_load %get3A_161[%get3A_162] {strides = array<i32>} : memref<512xi32, #tpu.memory_space<vmem>>, vector<16xi32>,
    %shift_right_arithmetic3A_164 = arith.constant 7 : i32
    %shift_right_arithmetic3A_165 = vector.broadcast %shift_right_arithmetic3A_164 : i32 to vector<16xi32>
    %shift_right_arithmetic3A_166 = arith.shrsi %get3A_157, %shift_right_arithmetic3A_165 : vector<16xi32>
    %shift_left3A_167 = arith.constant 4 : i32
    %shift_left3A_168 = vector.broadcast %shift_left3A_167 : i32 to vector<16xi32>
    %shift_left3A_169 = arith.shli %shift_right_arithmetic3A_166, %shift_left3A_168 : vector<16xi32>
    %add3A_170 = arith.addi %shift_left3A_169, %get3A_163 : vector<16xi32>
    %swap3A_171 = arith.constant 0 : i32
    %swap3A_172 = arith.index_cast %swap3A_171 : i32 to index
    %swap3A_173 = arith.constant 112 : index
    %swap3A_174 = tpu.vector_load %arg6[%swap3A_172, %swap3A_173] {strides = array<i32>} : memref<4x128xi32, #tpu.memory_space<vmem>>, vector<16xi32>,
    tpu.vector_store %arg6[%swap3A_172, %swap3A_173], %add3A_170 {strides = array<i32>} : memref<4x128xi32, #tpu.memory_space<vmem>>, vector<16xi32>,
    %get3A_175 = arith.constant 1 : i32
    %get3A_176 = arith.index_cast %get3A_175 : i32 to index
    %get3A_177 = arith.constant 0 : index
    %get3A_178 = tpu.vector_load %arg5[%get3A_176, %get3A_177] {strides = array<i32>} : memref<4x128xi32, #tpu.memory_space<vmem>>, vector<16xi32>,
    %get3A_179 = arith.constant 0 : i32
    %get3A_180 = arith.constant 0 : i32
    %get3A_181 = tpu.memref_slice %arg7[%get3A_179, %get3A_180] : memref<1x512xi32, #tpu.memory_space<vmem>> -> memref<1x512xi32, #tpu.memory_space<vmem>>
    %get3A_182 = tpu.memref_squeeze %get3A_181 : memref<1x512xi32, #tpu.memory_space<vmem>> -> memref<512xi32, #tpu.memory_space<vmem>>
    %get3A_183 = arith.constant 128 : index
    %get3A_184 = tpu.vector_load %get3A_182[%get3A_183] {strides = array<i32>} : memref<512xi32, #tpu.memory_space<vmem>>, vector<16xi32>,
    %shift_right_arithmetic3A_185 = arith.constant 7 : i32
    %shift_right_arithmetic3A_186 = vector.broadcast %shift_right_arithmetic3A_185 : i32 to vector<16xi32>
    %shift_right_arithmetic3A_187 = arith.shrsi %get3A_178, %shift_right_arithmetic3A_186 : vector<16xi32>
    %shift_left3A_188 = arith.constant 4 : i32
    %shift_left3A_189 = vector.broadcast %shift_left3A_188 : i32 to vector<16xi32>
    %shift_left3A_190 = arith.shli %shift_right_arithmetic3A_187, %shift_left3A_189 : vector<16xi32>
    %add3A_191 = arith.addi %shift_left3A_190, %get3A_184 : vector<16xi32>
    %swap3A_192 = arith.constant 1 : i32
    %swap3A_193 = arith.index_cast %swap3A_192 : i32 to index
    %swap3A_194 = arith.constant 0 : index
    %swap3A_195 = tpu.vector_load %arg6[%swap3A_193, %swap3A_194] {strides = array<i32>} : memref<4x128xi32, #tpu.memory_space<vmem>>, vector<16xi32>,
    tpu.vector_store %arg6[%swap3A_193, %swap3A_194], %add3A_191 {strides = array<i32>} : memref<4x128xi32, #tpu.memory_space<vmem>>, vector<16xi32>,
    %get3A_196 = arith.constant 1 : i32
    %get3A_197 = arith.index_cast %get3A_196 : i32 to index
    %get3A_198 = arith.constant 16 : index
    %get3A_199 = tpu.vector_load %arg5[%get3A_197, %get3A_198] {strides = array<i32>} : memref<4x128xi32, #tpu.memory_space<vmem>>, vector<16xi32>,
    %get3A_200 = arith.constant 0 : i32
    %get3A_201 = arith.constant 0 : i32
    %get3A_202 = tpu.memref_slice %arg7[%get3A_200, %get3A_201] : memref<1x512xi32, #tpu.memory_space<vmem>> -> memref<1x512xi32, #tpu.memory_space<vmem>>
    %get3A_203 = tpu.memref_squeeze %get3A_202 : memref<1x512xi32, #tpu.memory_space<vmem>> -> memref<512xi32, #tpu.memory_space<vmem>>
    %get3A_204 = arith.constant 144 : index
    %get3A_205 = tpu.vector_load %get3A_203[%get3A_204] {strides = array<i32>} : memref<512xi32, #tpu.memory_space<vmem>>, vector<16xi32>,
    %shift_right_arithmetic3A_206 = arith.constant 7 : i32
    %shift_right_arithmetic3A_207 = vector.broadcast %shift_right_arithmetic3A_206 : i32 to vector<16xi32>
    %shift_right_arithmetic3A_208 = arith.shrsi %get3A_199, %shift_right_arithmetic3A_207 : vector<16xi32>
    %shift_left3A_209 = arith.constant 4 : i32
    %shift_left3A_210 = vector.broadcast %shift_left3A_209 : i32 to vector<16xi32>
    %shift_left3A_211 = arith.shli %shift_right_arithmetic3A_208, %shift_left3A_210 : vector<16xi32>
    %add3A_212 = arith.addi %shift_left3A_211, %get3A_205 : vector<16xi32>
    %swap3A_213 = arith.constant 1 : i32
    %swap3A_214 = arith.index_cast %swap3A_213 : i32 to index
    %swap3A_215 = arith.constant 16 : index
    %swap3A_216 = tpu.vector_load %arg6[%swap3A_214, %swap3A_215] {strides = array<i32>} : memref<4x128xi32, #tpu.memory_space<vmem>>, vector<16xi32>,
    tpu.vector_store %arg6[%swap3A_214, %swap3A_215], %add3A_212 {strides = array<i32>} : memref<4x128xi32, #tpu.memory_space<vmem>>, vector<16xi32>,
    %get3A_217 = arith.constant 1 : i32
    %get3A_218 = arith.index_cast %get3A_217 : i32 to index
    %get3A_219 = arith.constant 32 : index
    %get3A_220 = tpu.vector_load %arg5[%get3A_218, %get3A_219] {strides = array<i32>} : memref<4x128xi32, #tpu.memory_space<vmem>>, vector<16xi32>,
    %get3A_221 = arith.constant 0 : i32
    %get3A_222 = arith.constant 0 : i32
    %get3A_223 = tpu.memref_slice %arg7[%get3A_221, %get3A_222] : memref<1x512xi32, #tpu.memory_space<vmem>> -> memref<1x512xi32, #tpu.memory_space<vmem>>
    %get3A_224 = tpu.memref_squeeze %get3A_223 : memref<1x512xi32, #tpu.memory_space<vmem>> -> memref<512xi32, #tpu.memory_space<vmem>>
    %get3A_225 = arith.constant 160 : index
    %get3A_226 = tpu.vector_load %get3A_224[%get3A_225] {strides = array<i32>} : memref<512xi32, #tpu.memory_space<vmem>>, vector<16xi32>,
    %shift_right_arithmetic3A_227 = arith.constant 7 : i32
    %shift_right_arithmetic3A_228 = vector.broadcast %shift_right_arithmetic3A_227 : i32 to vector<16xi32>
    %shift_right_arithmetic3A_229 = arith.shrsi %get3A_220, %shift_right_arithmetic3A_228 : vector<16xi32>
    %shift_left3A_230 = arith.constant 4 : i32
    %shift_left3A_231 = vector.broadcast %shift_left3A_230 : i32 to vector<16xi32>
    %shift_left3A_232 = arith.shli %shift_right_arithmetic3A_229, %shift_left3A_231 : vector<16xi32>
    %add3A_233 = arith.addi %shift_left3A_232, %get3A_226 : vector<16xi32>
    %swap3A_234 = arith.constant 1 : i32
    %swap3A_235 = arith.index_cast %swap3A_234 : i32 to index
    %swap3A_236 = arith.constant 32 : index
    %swap3A_237 = tpu.vector_load %arg6[%swap3A_235, %swap3A_236] {strides = array<i32>} : memref<4x128xi32, #tpu.memory_space<vmem>>, vector<16xi32>,
    tpu.vector_store %arg6[%swap3A_235, %swap3A_236], %add3A_233 {strides = array<i32>} : memref<4x128xi32, #tpu.memory_space<vmem>>, vector<16xi32>,
    %get3A_238 = arith.constant 1 : i32
    %get3A_239 = arith.index_cast %get3A_238 : i32 to index
    %get3A_240 = arith.constant 48 : index
    %get3A_241 = tpu.vector_load %arg5[%get3A_239, %get3A_240] {strides = array<i32>} : memref<4x128xi32, #tpu.memory_space<vmem>>, vector<16xi32>,
    %get3A_242 = arith.constant 0 : i32
    %get3A_243 = arith.constant 0 : i32
    %get3A_244 = tpu.memref_slice %arg7[%get3A_242, %get3A_243] : memref<1x512xi32, #tpu.memory_space<vmem>> -> memref<1x512xi32, #tpu.memory_space<vmem>>
    %get3A_245 = tpu.memref_squeeze %get3A_244 : memref<1x512xi32, #tpu.memory_space<vmem>> -> memref<512xi32, #tpu.memory_space<vmem>>
    %get3A_246 = arith.constant 176 : index
    %get3A_247 = tpu.vector_load %get3A_245[%get3A_246] {strides = array<i32>} : memref<512xi32, #tpu.memory_space<vmem>>, vector<16xi32>,
    %shift_right_arithmetic3A_248 = arith.constant 7 : i32
    %shift_right_arithmetic3A_249 = vector.broadcast %shift_right_arithmetic3A_248 : i32 to vector<16xi32>
    %shift_right_arithmetic3A_250 = arith.shrsi %get3A_241, %shift_right_arithmetic3A_249 : vector<16xi32>
    %shift_left3A_251 = arith.constant 4 : i32
    %shift_left3A_252 = vector.broadcast %shift_left3A_251 : i32 to vector<16xi32>
    %shift_left3A_253 = arith.shli %shift_right_arithmetic3A_250, %shift_left3A_252 : vector<16xi32>
    %add3A_254 = arith.addi %shift_left3A_253, %get3A_247 : vector<16xi32>
    %swap3A_255 = arith.constant 1 : i32
    %swap3A_256 = arith.index_cast %swap3A_255 : i32 to index
    %swap3A_257 = arith.constant 48 : index
    %swap3A_258 = tpu.vector_load %arg6[%swap3A_256, %swap3A_257] {strides = array<i32>} : memref<4x128xi32, #tpu.memory_space<vmem>>, vector<16xi32>,
    tpu.vector_store %arg6[%swap3A_256, %swap3A_257], %add3A_254 {strides = array<i32>} : memref<4x128xi32, #tpu.memory_space<vmem>>, vector<16xi32>,
    %get3A_259 = arith.constant 1 : i32
    %get3A_260 = arith.index_cast %get3A_259 : i32 to index
    %get3A_261 = arith.constant 64 : index
    %get3A_262 = tpu.vector_load %arg5[%get3A_260, %get3A_261] {strides = array<i32>} : memref<4x128xi32, #tpu.memory_space<vmem>>, vector<16xi32>,
    %get3A_263 = arith.constant 0 : i32
    %get3A_264 = arith.constant 0 : i32
    %get3A_265 = tpu.memref_slice %arg7[%get3A_263, %get3A_264] : memref<1x512xi32, #tpu.memory_space<vmem>> -> memref<1x512xi32, #tpu.memory_space<vmem>>
    %get3A_266 = tpu.memref_squeeze %get3A_265 : memref<1x512xi32, #tpu.memory_space<vmem>> -> memref<512xi32, #tpu.memory_space<vmem>>
    %get3A_267 = arith.constant 192 : index
    %get3A_268 = tpu.vector_load %get3A_266[%get3A_267] {strides = array<i32>} : memref<512xi32, #tpu.memory_space<vmem>>, vector<16xi32>,
    %shift_right_arithmetic3A_269 = arith.constant 7 : i32
    %shift_right_arithmetic3A_270 = vector.broadcast %shift_right_arithmetic3A_269 : i32 to vector<16xi32>
    %shift_right_arithmetic3A_271 = arith.shrsi %get3A_262, %shift_right_arithmetic3A_270 : vector<16xi32>
    %shift_left3A_272 = arith.constant 4 : i32
    %shift_left3A_273 = vector.broadcast %shift_left3A_272 : i32 to vector<16xi32>
    %shift_left3A_274 = arith.shli %shift_right_arithmetic3A_271, %shift_left3A_273 : vector<16xi32>
    %add3A_275 = arith.addi %shift_left3A_274, %get3A_268 : vector<16xi32>
    %swap3A_276 = arith.constant 1 : i32
    %swap3A_277 = arith.index_cast %swap3A_276 : i32 to index
    %swap3A_278 = arith.constant 64 : index
    %swap3A_279 = tpu.vector_load %arg6[%swap3A_277, %swap3A_278] {strides = array<i32>} : memref<4x128xi32, #tpu.memory_space<vmem>>, vector<16xi32>,
    tpu.vector_store %arg6[%swap3A_277, %swap3A_278], %add3A_275 {strides = array<i32>} : memref<4x128xi32, #tpu.memory_space<vmem>>, vector<16xi32>,
    %get3A_280 = arith.constant 1 : i32
    %get3A_281 = arith.index_cast %get3A_280 : i32 to index
    %get3A_282 = arith.constant 80 : index
    %get3A_283 = tpu.vector_load %arg5[%get3A_281, %get3A_282] {strides = array<i32>} : memref<4x128xi32, #tpu.memory_space<vmem>>, vector<16xi32>,
    %get3A_284 = arith.constant 0 : i32
    %get3A_285 = arith.constant 0 : i32
    %get3A_286 = tpu.memref_slice %arg7[%get3A_284, %get3A_285] : memref<1x512xi32, #tpu.memory_space<vmem>> -> memref<1x512xi32, #tpu.memory_space<vmem>>
    %get3A_287 = tpu.memref_squeeze %get3A_286 : memref<1x512xi32, #tpu.memory_space<vmem>> -> memref<512xi32, #tpu.memory_space<vmem>>
    %get3A_288 = arith.constant 208 : index
    %get3A_289 = tpu.vector_load %get3A_287[%get3A_288] {strides = array<i32>} : memref<512xi32, #tpu.memory_space<vmem>>, vector<16xi32>,
    %shift_right_arithmetic3A_290 = arith.constant 7 : i32
    %shift_right_arithmetic3A_291 = vector.broadcast %shift_right_arithmetic3A_290 : i32 to vector<16xi32>
    %shift_right_arithmetic3A_292 = arith.shrsi %get3A_283, %shift_right_arithmetic3A_291 : vector<16xi32>
    %shift_left3A_293 = arith.constant 4 : i32
    %shift_left3A_294 = vector.broadcast %shift_left3A_293 : i32 to vector<16xi32>
    %shift_left3A_295 = arith.shli %shift_right_arithmetic3A_292, %shift_left3A_294 : vector<16xi32>
    %add3A_296 = arith.addi %shift_left3A_295, %get3A_289 : vector<16xi32>
    %swap3A_297 = arith.constant 1 : i32
    %swap3A_298 = arith.index_cast %swap3A_297 : i32 to index
    %swap3A_299 = arith.constant 80 : index
    %swap3A_300 = tpu.vector_load %arg6[%swap3A_298, %swap3A_299] {strides = array<i32>} : memref<4x128xi32, #tpu.memory_space<vmem>>, vector<16xi32>,
    tpu.vector_store %arg6[%swap3A_298, %swap3A_299], %add3A_296 {strides = array<i32>} : memref<4x128xi32, #tpu.memory_space<vmem>>, vector<16xi32>,
    %get3A_301 = arith.constant 1 : i32
    %get3A_302 = arith.index_cast %get3A_301 : i32 to index
    %get3A_303 = arith.constant 96 : index
    %get3A_304 = tpu.vector_load %arg5[%get3A_302, %get3A_303] {strides = array<i32>} : memref<4x128xi32, #tpu.memory_space<vmem>>, vector<16xi32>,
    %get3A_305 = arith.constant 0 : i32
    %get3A_306 = arith.constant 0 : i32
    %get3A_307 = tpu.memref_slice %arg7[%get3A_305, %get3A_306] : memref<1x512xi32, #tpu.memory_space<vmem>> -> memref<1x512xi32, #tpu.memory_space<vmem>>
    %get3A_308 = tpu.memref_squeeze %get3A_307 : memref<1x512xi32, #tpu.memory_space<vmem>> -> memref<512xi32, #tpu.memory_space<vmem>>
    %get3A_309 = arith.constant 224 : index
    %get3A_310 = tpu.vector_load %get3A_308[%get3A_309] {strides = array<i32>} : memref<512xi32, #tpu.memory_space<vmem>>, vector<16xi32>,
    %shift_right_arithmetic3A_311 = arith.constant 7 : i32
    %shift_right_arithmetic3A_312 = vector.broadcast %shift_right_arithmetic3A_311 : i32 to vector<16xi32>
    %shift_right_arithmetic3A_313 = arith.shrsi %get3A_304, %shift_right_arithmetic3A_312 : vector<16xi32>
    %shift_left3A_314 = arith.constant 4 : i32
    %shift_left3A_315 = vector.broadcast %shift_left3A_314 : i32 to vector<16xi32>
    %shift_left3A_316 = arith.shli %shift_right_arithmetic3A_313, %shift_left3A_315 : vector<16xi32>
    %add3A_317 = arith.addi %shift_left3A_316, %get3A_310 : vector<16xi32>
    %swap3A_318 = arith.constant 1 : i32
    %swap3A_319 = arith.index_cast %swap3A_318 : i32 to index
    %swap3A_320 = arith.constant 96 : index
    %swap3A_321 = tpu.vector_load %arg6[%swap3A_319, %swap3A_320] {strides = array<i32>} : memref<4x128xi32, #tpu.memory_space<vmem>>, vector<16xi32>,
    tpu.vector_store %arg6[%swap3A_319, %swap3A_320], %add3A_317 {strides = array<i32>} : memref<4x128xi32, #tpu.memory_space<vmem>>, vector<16xi32>,
    %get3A_322 = arith.constant 1 : i32
    %get3A_323 = arith.index_cast %get3A_322 : i32 to index
    %get3A_324 = arith.constant 112 : index
    %get3A_325 = tpu.vector_load %arg5[%get3A_323, %get3A_324] {strides = array<i32>} : memref<4x128xi32, #tpu.memory_space<vmem>>, vector<16xi32>,
    %get3A_326 = arith.constant 0 : i32
    %get3A_327 = arith.constant 0 : i32
    %get3A_328 = tpu.memref_slice %arg7[%get3A_326, %get3A_327] : memref<1x512xi32, #tpu.memory_space<vmem>> -> memref<1x512xi32, #tpu.memory_space<vmem>>
    %get3A_329 = tpu.memref_squeeze %get3A_328 : memref<1x512xi32, #tpu.memory_space<vmem>> -> memref<512xi32, #tpu.memory_space<vmem>>
    %get3A_330 = arith.constant 240 : index
    %get3A_331 = tpu.vector_load %get3A_329[%get3A_330] {strides = array<i32>} : memref<512xi32, #tpu.memory_space<vmem>>, vector<16xi32>,
    %shift_right_arithmetic3A_332 = arith.constant 7 : i32
    %shift_right_arithmetic3A_333 = vector.broadcast %shift_right_arithmetic3A_332 : i32 to vector<16xi32>
    %shift_right_arithmetic3A_334 = arith.shrsi %get3A_325, %shift_right_arithmetic3A_333 : vector<16xi32>
    %shift_left3A_335 = arith.constant 4 : i32
    %shift_left3A_336 = vector.broadcast %shift_left3A_335 : i32 to vector<16xi32>
    %shift_left3A_337 = arith.shli %shift_right_arithmetic3A_334, %shift_left3A_336 : vector<16xi32>
    %add3A_338 = arith.addi %shift_left3A_337, %get3A_331 : vector<16xi32>
    %swap3A_339 = arith.constant 1 : i32
    %swap3A_340 = arith.index_cast %swap3A_339 : i32 to index
    %swap3A_341 = arith.constant 112 : index
    %swap3A_342 = tpu.vector_load %arg6[%swap3A_340, %swap3A_341] {strides = array<i32>} : memref<4x128xi32, #tpu.memory_space<vmem>>, vector<16xi32>,
    tpu.vector_store %arg6[%swap3A_340, %swap3A_341], %add3A_338 {strides = array<i32>} : memref<4x128xi32, #tpu.memory_space<vmem>>, vector<16xi32>,
    %get3A_343 = arith.constant 2 : i32
    %get3A_344 = arith.index_cast %get3A_343 : i32 to index
    %get3A_345 = arith.constant 0 : index
    %get3A_346 = tpu.vector_load %arg5[%get3A_344, %get3A_345] {strides = array<i32>} : memref<4x128xi32, #tpu.memory_space<vmem>>, vector<16xi32>,
    %get3A_347 = arith.constant 0 : i32
    %get3A_348 = arith.constant 0 : i32
    %get3A_349 = tpu.memref_slice %arg7[%get3A_347, %get3A_348] : memref<1x512xi32, #tpu.memory_space<vmem>> -> memref<1x512xi32, #tpu.memory_space<vmem>>
    %get3A_350 = tpu.memref_squeeze %get3A_349 : memref<1x512xi32, #tpu.memory_space<vmem>> -> memref<512xi32, #tpu.memory_space<vmem>>
    %get3A_351 = arith.constant 256 : index
    %get3A_352 = tpu.vector_load %get3A_350[%get3A_351] {strides = array<i32>} : memref<512xi32, #tpu.memory_space<vmem>>, vector<16xi32>,
    %shift_right_arithmetic3A_353 = arith.constant 7 : i32
    %shift_right_arithmetic3A_354 = vector.broadcast %shift_right_arithmetic3A_353 : i32 to vector<16xi32>
    %shift_right_arithmetic3A_355 = arith.shrsi %get3A_346, %shift_right_arithmetic3A_354 : vector<16xi32>
    %shift_left3A_356 = arith.constant 4 : i32
    %shift_left3A_357 = vector.broadcast %shift_left3A_356 : i32 to vector<16xi32>
    %shift_left3A_358 = arith.shli %shift_right_arithmetic3A_355, %shift_left3A_357 : vector<16xi32>
    %add3A_359 = arith.addi %shift_left3A_358, %get3A_352 : vector<16xi32>
    %swap3A_360 = arith.constant 2 : i32
    %swap3A_361 = arith.index_cast %swap3A_360 : i32 to index
    %swap3A_362 = arith.constant 0 : index
    %swap3A_363 = tpu.vector_load %arg6[%swap3A_361, %swap3A_362] {strides = array<i32>} : memref<4x128xi32, #tpu.memory_space<vmem>>, vector<16xi32>,
    tpu.vector_store %arg6[%swap3A_361, %swap3A_362], %add3A_359 {strides = array<i32>} : memref<4x128xi32, #tpu.memory_space<vmem>>, vector<16xi32>,
    %get3A_364 = arith.constant 2 : i32
    %get3A_365 = arith.index_cast %get3A_364 : i32 to index
    %get3A_366 = arith.constant 16 : index
    %get3A_367 = tpu.vector_load %arg5[%get3A_365, %get3A_366] {strides = array<i32>} : memref<4x128xi32, #tpu.memory_space<vmem>>, vector<16xi32>,
    %get3A_368 = arith.constant 0 : i32
    %get3A_369 = arith.constant 0 : i32
    %get3A_370 = tpu.memref_slice %arg7[%get3A_368, %get3A_369] : memref<1x512xi32, #tpu.memory_space<vmem>> -> memref<1x512xi32, #tpu.memory_space<vmem>>
    %get3A_371 = tpu.memref_squeeze %get3A_370 : memref<1x512xi32, #tpu.memory_space<vmem>> -> memref<512xi32, #tpu.memory_space<vmem>>
    %get3A_372 = arith.constant 272 : index
    %get3A_373 = tpu.vector_load %get3A_371[%get3A_372] {strides = array<i32>} : memref<512xi32, #tpu.memory_space<vmem>>, vector<16xi32>,
    %shift_right_arithmetic3A_374 = arith.constant 7 : i32
    %shift_right_arithmetic3A_375 = vector.broadcast %shift_right_arithmetic3A_374 : i32 to vector<16xi32>
    %shift_right_arithmetic3A_376 = arith.shrsi %get3A_367, %shift_right_arithmetic3A_375 : vector<16xi32>
    %shift_left3A_377 = arith.constant 4 : i32
    %shift_left3A_378 = vector.broadcast %shift_left3A_377 : i32 to vector<16xi32>
    %shift_left3A_379 = arith.shli %shift_right_arithmetic3A_376, %shift_left3A_378 : vector<16xi32>
    %add3A_380 = arith.addi %shift_left3A_379, %get3A_373 : vector<16xi32>
    %swap3A_381 = arith.constant 2 : i32
    %swap3A_382 = arith.index_cast %swap3A_381 : i32 to index
    %swap3A_383 = arith.constant 16 : index
    %swap3A_384 = tpu.vector_load %arg6[%swap3A_382, %swap3A_383] {strides = array<i32>} : memref<4x128xi32, #tpu.memory_space<vmem>>, vector<16xi32>,
    tpu.vector_store %arg6[%swap3A_382, %swap3A_383], %add3A_380 {strides = array<i32>} : memref<4x128xi32, #tpu.memory_space<vmem>>, vector<16xi32>,
    %get3A_385 = arith.constant 2 : i32
    %get3A_386 = arith.index_cast %get3A_385 : i32 to index
    %get3A_387 = arith.constant 32 : index
    %get3A_388 = tpu.vector_load %arg5[%get3A_386, %get3A_387] {strides = array<i32>} : memref<4x128xi32, #tpu.memory_space<vmem>>, vector<16xi32>,
    %get3A_389 = arith.constant 0 : i32
    %get3A_390 = arith.constant 0 : i32
    %get3A_391 = tpu.memref_slice %arg7[%get3A_389, %get3A_390] : memref<1x512xi32, #tpu.memory_space<vmem>> -> memref<1x512xi32, #tpu.memory_space<vmem>>
    %get3A_392 = tpu.memref_squeeze %get3A_391 : memref<1x512xi32, #tpu.memory_space<vmem>> -> memref<512xi32, #tpu.memory_space<vmem>>
    %get3A_393 = arith.constant 288 : index
    %get3A_394 = tpu.vector_load %get3A_392[%get3A_393] {strides = array<i32>} : memref<512xi32, #tpu.memory_space<vmem>>, vector<16xi32>,
    %shift_right_arithmetic3A_395 = arith.constant 7 : i32
    %shift_right_arithmetic3A_396 = vector.broadcast %shift_right_arithmetic3A_395 : i32 to vector<16xi32>
    %shift_right_arithmetic3A_397 = arith.shrsi %get3A_388, %shift_right_arithmetic3A_396 : vector<16xi32>
    %shift_left3A_398 = arith.constant 4 : i32
    %shift_left3A_399 = vector.broadcast %shift_left3A_398 : i32 to vector<16xi32>
    %shift_left3A_400 = arith.shli %shift_right_arithmetic3A_397, %shift_left3A_399 : vector<16xi32>
    %add3A_401 = arith.addi %shift_left3A_400, %get3A_394 : vector<16xi32>
    %swap3A_402 = arith.constant 2 : i32
    %swap3A_403 = arith.index_cast %swap3A_402 : i32 to index
    %swap3A_404 = arith.constant 32 : index
    %swap3A_405 = tpu.vector_load %arg6[%swap3A_403, %swap3A_404] {strides = array<i32>} : memref<4x128xi32, #tpu.memory_space<vmem>>, vector<16xi32>,
    tpu.vector_store %arg6[%swap3A_403, %swap3A_404], %add3A_401 {strides = array<i32>} : memref<4x128xi32, #tpu.memory_space<vmem>>, vector<16xi32>,
    %get3A_406 = arith.constant 2 : i32
    %get3A_407 = arith.index_cast %get3A_406 : i32 to index
    %get3A_408 = arith.constant 48 : index
    %get3A_409 = tpu.vector_load %arg5[%get3A_407, %get3A_408] {strides = array<i32>} : memref<4x128xi32, #tpu.memory_space<vmem>>, vector<16xi32>,
    %get3A_410 = arith.constant 0 : i32
    %get3A_411 = arith.constant 0 : i32
    %get3A_412 = tpu.memref_slice %arg7[%get3A_410, %get3A_411] : memref<1x512xi32, #tpu.memory_space<vmem>> -> memref<1x512xi32, #tpu.memory_space<vmem>>
    %get3A_413 = tpu.memref_squeeze %get3A_412 : memref<1x512xi32, #tpu.memory_space<vmem>> -> memref<512xi32, #tpu.memory_space<vmem>>
    %get3A_414 = arith.constant 304 : index
    %get3A_415 = tpu.vector_load %get3A_413[%get3A_414] {strides = array<i32>} : memref<512xi32, #tpu.memory_space<vmem>>, vector<16xi32>,
    %shift_right_arithmetic3A_416 = arith.constant 7 : i32
    %shift_right_arithmetic3A_417 = vector.broadcast %shift_right_arithmetic3A_416 : i32 to vector<16xi32>
    %shift_right_arithmetic3A_418 = arith.shrsi %get3A_409, %shift_right_arithmetic3A_417 : vector<16xi32>
    %shift_left3A_419 = arith.constant 4 : i32
    %shift_left3A_420 = vector.broadcast %shift_left3A_419 : i32 to vector<16xi32>
    %shift_left3A_421 = arith.shli %shift_right_arithmetic3A_418, %shift_left3A_420 : vector<16xi32>
    %add3A_422 = arith.addi %shift_left3A_421, %get3A_415 : vector<16xi32>
    %swap3A_423 = arith.constant 2 : i32
    %swap3A_424 = arith.index_cast %swap3A_423 : i32 to index
    %swap3A_425 = arith.constant 48 : index
    %swap3A_426 = tpu.vector_load %arg6[%swap3A_424, %swap3A_425] {strides = array<i32>} : memref<4x128xi32, #tpu.memory_space<vmem>>, vector<16xi32>,
    tpu.vector_store %arg6[%swap3A_424, %swap3A_425], %add3A_422 {strides = array<i32>} : memref<4x128xi32, #tpu.memory_space<vmem>>, vector<16xi32>,
    %get3A_427 = arith.constant 2 : i32
    %get3A_428 = arith.index_cast %get3A_427 : i32 to index
    %get3A_429 = arith.constant 64 : index
    %get3A_430 = tpu.vector_load %arg5[%get3A_428, %get3A_429] {strides = array<i32>} : memref<4x128xi32, #tpu.memory_space<vmem>>, vector<16xi32>,
    %get3A_431 = arith.constant 0 : i32
    %get3A_432 = arith.constant 0 : i32
    %get3A_433 = tpu.memref_slice %arg7[%get3A_431, %get3A_432] : memref<1x512xi32, #tpu.memory_space<vmem>> -> memref<1x512xi32, #tpu.memory_space<vmem>>
    %get3A_434 = tpu.memref_squeeze %get3A_433 : memref<1x512xi32, #tpu.memory_space<vmem>> -> memref<512xi32, #tpu.memory_space<vmem>>
    %get3A_435 = arith.constant 320 : index
    %get3A_436 = tpu.vector_load %get3A_434[%get3A_435] {strides = array<i32>} : memref<512xi32, #tpu.memory_space<vmem>>, vector<16xi32>,
    %shift_right_arithmetic3A_437 = arith.constant 7 : i32
    %shift_right_arithmetic3A_438 = vector.broadcast %shift_right_arithmetic3A_437 : i32 to vector<16xi32>
    %shift_right_arithmetic3A_439 = arith.shrsi %get3A_430, %shift_right_arithmetic3A_438 : vector<16xi32>
    %shift_left3A_440 = arith.constant 4 : i32
    %shift_left3A_441 = vector.broadcast %shift_left3A_440 : i32 to vector<16xi32>
    %shift_left3A_442 = arith.shli %shift_right_arithmetic3A_439, %shift_left3A_441 : vector<16xi32>
    %add3A_443 = arith.addi %shift_left3A_442, %get3A_436 : vector<16xi32>
    %swap3A_444 = arith.constant 2 : i32
    %swap3A_445 = arith.index_cast %swap3A_444 : i32 to index
    %swap3A_446 = arith.constant 64 : index
    %swap3A_447 = tpu.vector_load %arg6[%swap3A_445, %swap3A_446] {strides = array<i32>} : memref<4x128xi32, #tpu.memory_space<vmem>>, vector<16xi32>,
    tpu.vector_store %arg6[%swap3A_445, %swap3A_446], %add3A_443 {strides = array<i32>} : memref<4x128xi32, #tpu.memory_space<vmem>>, vector<16xi32>,
    %get3A_448 = arith.constant 2 : i32
    %get3A_449 = arith.index_cast %get3A_448 : i32 to index
    %get3A_450 = arith.constant 80 : index
    %get3A_451 = tpu.vector_load %arg5[%get3A_449, %get3A_450] {strides = array<i32>} : memref<4x128xi32, #tpu.memory_space<vmem>>, vector<16xi32>,
    %get3A_452 = arith.constant 0 : i32
    %get3A_453 = arith.constant 0 : i32
    %get3A_454 = tpu.memref_slice %arg7[%get3A_452, %get3A_453] : memref<1x512xi32, #tpu.memory_space<vmem>> -> memref<1x512xi32, #tpu.memory_space<vmem>>
    %get3A_455 = tpu.memref_squeeze %get3A_454 : memref<1x512xi32, #tpu.memory_space<vmem>> -> memref<512xi32, #tpu.memory_space<vmem>>
    %get3A_456 = arith.constant 336 : index
    %get3A_457 = tpu.vector_load %get3A_455[%get3A_456] {strides = array<i32>} : memref<512xi32, #tpu.memory_space<vmem>>, vector<16xi32>,
    %shift_right_arithmetic3A_458 = arith.constant 7 : i32
    %shift_right_arithmetic3A_459 = vector.broadcast %shift_right_arithmetic3A_458 : i32 to vector<16xi32>
    %shift_right_arithmetic3A_460 = arith.shrsi %get3A_451, %shift_right_arithmetic3A_459 : vector<16xi32>
    %shift_left3A_461 = arith.constant 4 : i32
    %shift_left3A_462 = vector.broadcast %shift_left3A_461 : i32 to vector<16xi32>
    %shift_left3A_463 = arith.shli %shift_right_arithmetic3A_460, %shift_left3A_462 : vector<16xi32>
    %add3A_464 = arith.addi %shift_left3A_463, %get3A_457 : vector<16xi32>
    %swap3A_465 = arith.constant 2 : i32
    %swap3A_466 = arith.index_cast %swap3A_465 : i32 to index
    %swap3A_467 = arith.constant 80 : index
    %swap3A_468 = tpu.vector_load %arg6[%swap3A_466, %swap3A_467] {strides = array<i32>} : memref<4x128xi32, #tpu.memory_space<vmem>>, vector<16xi32>,
    tpu.vector_store %arg6[%swap3A_466, %swap3A_467], %add3A_464 {strides = array<i32>} : memref<4x128xi32, #tpu.memory_space<vmem>>, vector<16xi32>,
    %get3A_469 = arith.constant 2 : i32
    %get3A_470 = arith.index_cast %get3A_469 : i32 to index
    %get3A_471 = arith.constant 96 : index
    %get3A_472 = tpu.vector_load %arg5[%get3A_470, %get3A_471] {strides = array<i32>} : memref<4x128xi32, #tpu.memory_space<vmem>>, vector<16xi32>,
    %get3A_473 = arith.constant 0 : i32
    %get3A_474 = arith.constant 0 : i32
    %get3A_475 = tpu.memref_slice %arg7[%get3A_473, %get3A_474] : memref<1x512xi32, #tpu.memory_space<vmem>> -> memref<1x512xi32, #tpu.memory_space<vmem>>
    %get3A_476 = tpu.memref_squeeze %get3A_475 : memref<1x512xi32, #tpu.memory_space<vmem>> -> memref<512xi32, #tpu.memory_space<vmem>>
    %get3A_477 = arith.constant 352 : index
    %get3A_478 = tpu.vector_load %get3A_476[%get3A_477] {strides = array<i32>} : memref<512xi32, #tpu.memory_space<vmem>>, vector<16xi32>,
    %shift_right_arithmetic3A_479 = arith.constant 7 : i32
    %shift_right_arithmetic3A_480 = vector.broadcast %shift_right_arithmetic3A_479 : i32 to vector<16xi32>
    %shift_right_arithmetic3A_481 = arith.shrsi %get3A_472, %shift_right_arithmetic3A_480 : vector<16xi32>
    %shift_left3A_482 = arith.constant 4 : i32
    %shift_left3A_483 = vector.broadcast %shift_left3A_482 : i32 to vector<16xi32>
    %shift_left3A_484 = arith.shli %shift_right_arithmetic3A_481, %shift_left3A_483 : vector<16xi32>
    %add3A_485 = arith.addi %shift_left3A_484, %get3A_478 : vector<16xi32>
    %swap3A_486 = arith.constant 2 : i32
    %swap3A_487 = arith.index_cast %swap3A_486 : i32 to index
    %swap3A_488 = arith.constant 96 : index
    %swap3A_489 = tpu.vector_load %arg6[%swap3A_487, %swap3A_488] {strides = array<i32>} : memref<4x128xi32, #tpu.memory_space<vmem>>, vector<16xi32>,
    tpu.vector_store %arg6[%swap3A_487, %swap3A_488], %add3A_485 {strides = array<i32>} : memref<4x128xi32, #tpu.memory_space<vmem>>, vector<16xi32>,
    %get3A_490 = arith.constant 2 : i32
    %get3A_491 = arith.index_cast %get3A_490 : i32 to index
    %get3A_492 = arith.constant 112 : index
    %get3A_493 = tpu.vector_load %arg5[%get3A_491, %get3A_492] {strides = array<i32>} : memref<4x128xi32, #tpu.memory_space<vmem>>, vector<16xi32>,
    %get3A_494 = arith.constant 0 : i32
    %get3A_495 = arith.constant 0 : i32
    %get3A_496 = tpu.memref_slice %arg7[%get3A_494, %get3A_495] : memref<1x512xi32, #tpu.memory_space<vmem>> -> memref<1x512xi32, #tpu.memory_space<vmem>>
    %get3A_497 = tpu.memref_squeeze %get3A_496 : memref<1x512xi32, #tpu.memory_space<vmem>> -> memref<512xi32, #tpu.memory_space<vmem>>
    %get3A_498 = arith.constant 368 : index
    %get3A_499 = tpu.vector_load %get3A_497[%get3A_498] {strides = array<i32>} : memref<512xi32, #tpu.memory_space<vmem>>, vector<16xi32>,
    %shift_right_arithmetic3A_500 = arith.constant 7 : i32
    %shift_right_arithmetic3A_501 = vector.broadcast %shift_right_arithmetic3A_500 : i32 to vector<16xi32>
    %shift_right_arithmetic3A_502 = arith.shrsi %get3A_493, %shift_right_arithmetic3A_501 : vector<16xi32>
    %shift_left3A_503 = arith.constant 4 : i32
    %shift_left3A_504 = vector.broadcast %shift_left3A_503 : i32 to vector<16xi32>
    %shift_left3A_505 = arith.shli %shift_right_arithmetic3A_502, %shift_left3A_504 : vector<16xi32>
    %add3A_506 = arith.addi %shift_left3A_505, %get3A_499 : vector<16xi32>
    %swap3A_507 = arith.constant 2 : i32
    %swap3A_508 = arith.index_cast %swap3A_507 : i32 to index
    %swap3A_509 = arith.constant 112 : index
    %swap3A_510 = tpu.vector_load %arg6[%swap3A_508, %swap3A_509] {strides = array<i32>} : memref<4x128xi32, #tpu.memory_space<vmem>>, vector<16xi32>,
    tpu.vector_store %arg6[%swap3A_508, %swap3A_509], %add3A_506 {strides = array<i32>} : memref<4x128xi32, #tpu.memory_space<vmem>>, vector<16xi32>,
    %get3A_511 = arith.constant 3 : i32
    %get3A_512 = arith.index_cast %get3A_511 : i32 to index
    %get3A_513 = arith.constant 0 : index
    %get3A_514 = tpu.vector_load %arg5[%get3A_512, %get3A_513] {strides = array<i32>} : memref<4x128xi32, #tpu.memory_space<vmem>>, vector<16xi32>,
    %get3A_515 = arith.constant 0 : i32
    %get3A_516 = arith.constant 0 : i32
    %get3A_517 = tpu.memref_slice %arg7[%get3A_515, %get3A_516] : memref<1x512xi32, #tpu.memory_space<vmem>> -> memref<1x512xi32, #tpu.memory_space<vmem>>
    %get3A_518 = tpu.memref_squeeze %get3A_517 : memref<1x512xi32, #tpu.memory_space<vmem>> -> memref<512xi32, #tpu.memory_space<vmem>>
    %get3A_519 = arith.constant 384 : index
    %get3A_520 = tpu.vector_load %get3A_518[%get3A_519] {strides = array<i32>} : memref<512xi32, #tpu.memory_space<vmem>>, vector<16xi32>,
    %shift_right_arithmetic3A_521 = arith.constant 7 : i32
    %shift_right_arithmetic3A_522 = vector.broadcast %shift_right_arithmetic3A_521 : i32 to vector<16xi32>
    %shift_right_arithmetic3A_523 = arith.shrsi %get3A_514, %shift_right_arithmetic3A_522 : vector<16xi32>
    %shift_left3A_524 = arith.constant 4 : i32
    %shift_left3A_525 = vector.broadcast %shift_left3A_524 : i32 to vector<16xi32>
    %shift_left3A_526 = arith.shli %shift_right_arithmetic3A_523, %shift_left3A_525 : vector<16xi32>
    %add3A_527 = arith.addi %shift_left3A_526, %get3A_520 : vector<16xi32>
    %swap3A_528 = arith.constant 3 : i32
    %swap3A_529 = arith.index_cast %swap3A_528 : i32 to index
    %swap3A_530 = arith.constant 0 : index
    %swap3A_531 = tpu.vector_load %arg6[%swap3A_529, %swap3A_530] {strides = array<i32>} : memref<4x128xi32, #tpu.memory_space<vmem>>, vector<16xi32>,
    tpu.vector_store %arg6[%swap3A_529, %swap3A_530], %add3A_527 {strides = array<i32>} : memref<4x128xi32, #tpu.memory_space<vmem>>, vector<16xi32>,
    %get3A_532 = arith.constant 3 : i32
    %get3A_533 = arith.index_cast %get3A_532 : i32 to index
    %get3A_534 = arith.constant 16 : index
    %get3A_535 = tpu.vector_load %arg5[%get3A_533, %get3A_534] {strides = array<i32>} : memref<4x128xi32, #tpu.memory_space<vmem>>, vector<16xi32>,
    %get3A_536 = arith.constant 0 : i32
    %get3A_537 = arith.constant 0 : i32
    %get3A_538 = tpu.memref_slice %arg7[%get3A_536, %get3A_537] : memref<1x512xi32, #tpu.memory_space<vmem>> -> memref<1x512xi32, #tpu.memory_space<vmem>>
    %get3A_539 = tpu.memref_squeeze %get3A_538 : memref<1x512xi32, #tpu.memory_space<vmem>> -> memref<512xi32, #tpu.memory_space<vmem>>
    %get3A_540 = arith.constant 400 : index
    %get3A_541 = tpu.vector_load %get3A_539[%get3A_540] {strides = array<i32>} : memref<512xi32, #tpu.memory_space<vmem>>, vector<16xi32>,
    %shift_right_arithmetic3A_542 = arith.constant 7 : i32
    %shift_right_arithmetic3A_543 = vector.broadcast %shift_right_arithmetic3A_542 : i32 to vector<16xi32>
    %shift_right_arithmetic3A_544 = arith.shrsi %get3A_535, %shift_right_arithmetic3A_543 : vector<16xi32>
    %shift_left3A_545 = arith.constant 4 : i32
    %shift_left3A_546 = vector.broadcast %shift_left3A_545 : i32 to vector<16xi32>
    %shift_left3A_547 = arith.shli %shift_right_arithmetic3A_544, %shift_left3A_546 : vector<16xi32>
    %add3A_548 = arith.addi %shift_left3A_547, %get3A_541 : vector<16xi32>
    %swap3A_549 = arith.constant 3 : i32
    %swap3A_550 = arith.index_cast %swap3A_549 : i32 to index
    %swap3A_551 = arith.constant 16 : index
    %swap3A_552 = tpu.vector_load %arg6[%swap3A_550, %swap3A_551] {strides = array<i32>} : memref<4x128xi32, #tpu.memory_space<vmem>>, vector<16xi32>,
    tpu.vector_store %arg6[%swap3A_550, %swap3A_551], %add3A_548 {strides = array<i32>} : memref<4x128xi32, #tpu.memory_space<vmem>>, vector<16xi32>,
    %get3A_553 = arith.constant 3 : i32
    %get3A_554 = arith.index_cast %get3A_553 : i32 to index
    %get3A_555 = arith.constant 32 : index
    %get3A_556 = tpu.vector_load %arg5[%get3A_554, %get3A_555] {strides = array<i32>} : memref<4x128xi32, #tpu.memory_space<vmem>>, vector<16xi32>,
    %get3A_557 = arith.constant 0 : i32
    %get3A_558 = arith.constant 0 : i32
    %get3A_559 = tpu.memref_slice %arg7[%get3A_557, %get3A_558] : memref<1x512xi32, #tpu.memory_space<vmem>> -> memref<1x512xi32, #tpu.memory_space<vmem>>
    %get3A_560 = tpu.memref_squeeze %get3A_559 : memref<1x512xi32, #tpu.memory_space<vmem>> -> memref<512xi32, #tpu.memory_space<vmem>>
    %get3A_561 = arith.constant 416 : index
    %get3A_562 = tpu.vector_load %get3A_560[%get3A_561] {strides = array<i32>} : memref<512xi32, #tpu.memory_space<vmem>>, vector<16xi32>,
    %shift_right_arithmetic3A_563 = arith.constant 7 : i32
    %shift_right_arithmetic3A_564 = vector.broadcast %shift_right_arithmetic3A_563 : i32 to vector<16xi32>
    %shift_right_arithmetic3A_565 = arith.shrsi %get3A_556, %shift_right_arithmetic3A_564 : vector<16xi32>
    %shift_left3A_566 = arith.constant 4 : i32
    %shift_left3A_567 = vector.broadcast %shift_left3A_566 : i32 to vector<16xi32>
    %shift_left3A_568 = arith.shli %shift_right_arithmetic3A_565, %shift_left3A_567 : vector<16xi32>
    %add3A_569 = arith.addi %shift_left3A_568, %get3A_562 : vector<16xi32>
    %swap3A_570 = arith.constant 3 : i32
    %swap3A_571 = arith.index_cast %swap3A_570 : i32 to index
    %swap3A_572 = arith.constant 32 : index
    %swap3A_573 = tpu.vector_load %arg6[%swap3A_571, %swap3A_572] {strides = array<i32>} : memref<4x128xi32, #tpu.memory_space<vmem>>, vector<16xi32>,
    tpu.vector_store %arg6[%swap3A_571, %swap3A_572], %add3A_569 {strides = array<i32>} : memref<4x128xi32, #tpu.memory_space<vmem>>, vector<16xi32>,
    %get3A_574 = arith.constant 3 : i32
    %get3A_575 = arith.index_cast %get3A_574 : i32 to index
    %get3A_576 = arith.constant 48 : index
    %get3A_577 = tpu.vector_load %arg5[%get3A_575, %get3A_576] {strides = array<i32>} : memref<4x128xi32, #tpu.memory_space<vmem>>, vector<16xi32>,
    %get3A_578 = arith.constant 0 : i32
    %get3A_579 = arith.constant 0 : i32
    %get3A_580 = tpu.memref_slice %arg7[%get3A_578, %get3A_579] : memref<1x512xi32, #tpu.memory_space<vmem>> -> memref<1x512xi32, #tpu.memory_space<vmem>>
    %get3A_581 = tpu.memref_squeeze %get3A_580 : memref<1x512xi32, #tpu.memory_space<vmem>> -> memref<512xi32, #tpu.memory_space<vmem>>
    %get3A_582 = arith.constant 432 : index
    %get3A_583 = tpu.vector_load %get3A_581[%get3A_582] {strides = array<i32>} : memref<512xi32, #tpu.memory_space<vmem>>, vector<16xi32>,
    %shift_right_arithmetic3A_584 = arith.constant 7 : i32
    %shift_right_arithmetic3A_585 = vector.broadcast %shift_right_arithmetic3A_584 : i32 to vector<16xi32>
    %shift_right_arithmetic3A_586 = arith.shrsi %get3A_577, %shift_right_arithmetic3A_585 : vector<16xi32>
    %shift_left3A_587 = arith.constant 4 : i32
    %shift_left3A_588 = vector.broadcast %shift_left3A_587 : i32 to vector<16xi32>
    %shift_left3A_589 = arith.shli %shift_right_arithmetic3A_586, %shift_left3A_588 : vector<16xi32>
    %add3A_590 = arith.addi %shift_left3A_589, %get3A_583 : vector<16xi32>
    %swap3A_591 = arith.constant 3 : i32
    %swap3A_592 = arith.index_cast %swap3A_591 : i32 to index
    %swap3A_593 = arith.constant 48 : index
    %swap3A_594 = tpu.vector_load %arg6[%swap3A_592, %swap3A_593] {strides = array<i32>} : memref<4x128xi32, #tpu.memory_space<vmem>>, vector<16xi32>,
    tpu.vector_store %arg6[%swap3A_592, %swap3A_593], %add3A_590 {strides = array<i32>} : memref<4x128xi32, #tpu.memory_space<vmem>>, vector<16xi32>,
    %get3A_595 = arith.constant 3 : i32
    %get3A_596 = arith.index_cast %get3A_595 : i32 to index
    %get3A_597 = arith.constant 64 : index
    %get3A_598 = tpu.vector_load %arg5[%get3A_596, %get3A_597] {strides = array<i32>} : memref<4x128xi32, #tpu.memory_space<vmem>>, vector<16xi32>,
    %get3A_599 = arith.constant 0 : i32
    %get3A_600 = arith.constant 0 : i32
    %get3A_601 = tpu.memref_slice %arg7[%get3A_599, %get3A_600] : memref<1x512xi32, #tpu.memory_space<vmem>> -> memref<1x512xi32, #tpu.memory_space<vmem>>
    %get3A_602 = tpu.memref_squeeze %get3A_601 : memref<1x512xi32, #tpu.memory_space<vmem>> -> memref<512xi32, #tpu.memory_space<vmem>>
    %get3A_603 = arith.constant 448 : index
    %get3A_604 = tpu.vector_load %get3A_602[%get3A_603] {strides = array<i32>} : memref<512xi32, #tpu.memory_space<vmem>>, vector<16xi32>,
    %shift_right_arithmetic3A_605 = arith.constant 7 : i32
    %shift_right_arithmetic3A_606 = vector.broadcast %shift_right_arithmetic3A_605 : i32 to vector<16xi32>
    %shift_right_arithmetic3A_607 = arith.shrsi %get3A_598, %shift_right_arithmetic3A_606 : vector<16xi32>
    %shift_left3A_608 = arith.constant 4 : i32
    %shift_left3A_609 = vector.broadcast %shift_left3A_608 : i32 to vector<16xi32>
    %shift_left3A_610 = arith.shli %shift_right_arithmetic3A_607, %shift_left3A_609 : vector<16xi32>
    %add3A_611 = arith.addi %shift_left3A_610, %get3A_604 : vector<16xi32>
    %swap3A_612 = arith.constant 3 : i32
    %swap3A_613 = arith.index_cast %swap3A_612 : i32 to index
    %swap3A_614 = arith.constant 64 : index
    %swap3A_615 = tpu.vector_load %arg6[%swap3A_613, %swap3A_614] {strides = array<i32>} : memref<4x128xi32, #tpu.memory_space<vmem>>, vector<16xi32>,
    tpu.vector_store %arg6[%swap3A_613, %swap3A_614], %add3A_611 {strides = array<i32>} : memref<4x128xi32, #tpu.memory_space<vmem>>, vector<16xi32>,
    %get3A_616 = arith.constant 3 : i32
    %get3A_617 = arith.index_cast %get3A_616 : i32 to index
    %get3A_618 = arith.constant 80 : index
    %get3A_619 = tpu.vector_load %arg5[%get3A_617, %get3A_618] {strides = array<i32>} : memref<4x128xi32, #tpu.memory_space<vmem>>, vector<16xi32>,
    %get3A_620 = arith.constant 0 : i32
    %get3A_621 = arith.constant 0 : i32
    %get3A_622 = tpu.memref_slice %arg7[%get3A_620, %get3A_621] : memref<1x512xi32, #tpu.memory_space<vmem>> -> memref<1x512xi32, #tpu.memory_space<vmem>>
    %get3A_623 = tpu.memref_squeeze %get3A_622 : memref<1x512xi32, #tpu.memory_space<vmem>> -> memref<512xi32, #tpu.memory_space<vmem>>
    %get3A_624 = arith.constant 464 : index
    %get3A_625 = tpu.vector_load %get3A_623[%get3A_624] {strides = array<i32>} : memref<512xi32, #tpu.memory_space<vmem>>, vector<16xi32>,
    %shift_right_arithmetic3A_626 = arith.constant 7 : i32
    %shift_right_arithmetic3A_627 = vector.broadcast %shift_right_arithmetic3A_626 : i32 to vector<16xi32>
    %shift_right_arithmetic3A_628 = arith.shrsi %get3A_619, %shift_right_arithmetic3A_627 : vector<16xi32>
    %shift_left3A_629 = arith.constant 4 : i32
    %shift_left3A_630 = vector.broadcast %shift_left3A_629 : i32 to vector<16xi32>
    %shift_left3A_631 = arith.shli %shift_right_arithmetic3A_628, %shift_left3A_630 : vector<16xi32>
    %add3A_632 = arith.addi %shift_left3A_631, %get3A_625 : vector<16xi32>
    %swap3A_633 = arith.constant 3 : i32
    %swap3A_634 = arith.index_cast %swap3A_633 : i32 to index
    %swap3A_635 = arith.constant 80 : index
    %swap3A_636 = tpu.vector_load %arg6[%swap3A_634, %swap3A_635] {strides = array<i32>} : memref<4x128xi32, #tpu.memory_space<vmem>>, vector<16xi32>,
    tpu.vector_store %arg6[%swap3A_634, %swap3A_635], %add3A_632 {strides = array<i32>} : memref<4x128xi32, #tpu.memory_space<vmem>>, vector<16xi32>,
    %get3A_637 = arith.constant 3 : i32
    %get3A_638 = arith.index_cast %get3A_637 : i32 to index
    %get3A_639 = arith.constant 96 : index
    %get3A_640 = tpu.vector_load %arg5[%get3A_638, %get3A_639] {strides = array<i32>} : memref<4x128xi32, #tpu.memory_space<vmem>>, vector<16xi32>,
    %get3A_641 = arith.constant 0 : i32
    %get3A_642 = arith.constant 0 : i32
    %get3A_643 = tpu.memref_slice %arg7[%get3A_641, %get3A_642] : memref<1x512xi32, #tpu.memory_space<vmem>> -> memref<1x512xi32, #tpu.memory_space<vmem>>
    %get3A_644 = tpu.memref_squeeze %get3A_643 : memref<1x512xi32, #tpu.memory_space<vmem>> -> memref<512xi32, #tpu.memory_space<vmem>>
    %get3A_645 = arith.constant 480 : index
    %get3A_646 = tpu.vector_load %get3A_644[%get3A_645] {strides = array<i32>} : memref<512xi32, #tpu.memory_space<vmem>>, vector<16xi32>,
    %shift_right_arithmetic3A_647 = arith.constant 7 : i32
    %shift_right_arithmetic3A_648 = vector.broadcast %shift_right_arithmetic3A_647 : i32 to vector<16xi32>
    %shift_right_arithmetic3A_649 = arith.shrsi %get3A_640, %shift_right_arithmetic3A_648 : vector<16xi32>
    %shift_left3A_650 = arith.constant 4 : i32
    %shift_left3A_651 = vector.broadcast %shift_left3A_650 : i32 to vector<16xi32>
    %shift_left3A_652 = arith.shli %shift_right_arithmetic3A_649, %shift_left3A_651 : vector<16xi32>
    %add3A_653 = arith.addi %shift_left3A_652, %get3A_646 : vector<16xi32>
    %swap3A_654 = arith.constant 3 : i32
    %swap3A_655 = arith.index_cast %swap3A_654 : i32 to index
    %swap3A_656 = arith.constant 96 : index
    %swap3A_657 = tpu.vector_load %arg6[%swap3A_655, %swap3A_656] {strides = array<i32>} : memref<4x128xi32, #tpu.memory_space<vmem>>, vector<16xi32>,
    tpu.vector_store %arg6[%swap3A_655, %swap3A_656], %add3A_653 {strides = array<i32>} : memref<4x128xi32, #tpu.memory_space<vmem>>, vector<16xi32>,
    %get3A_658 = arith.constant 3 : i32
    %get3A_659 = arith.index_cast %get3A_658 : i32 to index
    %get3A_660 = arith.constant 112 : index
    %get3A_661 = tpu.vector_load %arg5[%get3A_659, %get3A_660] {strides = array<i32>} : memref<4x128xi32, #tpu.memory_space<vmem>>, vector<16xi32>,
    %get3A_662 = arith.constant 0 : i32
    %get3A_663 = arith.constant 0 : i32
    %get3A_664 = tpu.memref_slice %arg7[%get3A_662, %get3A_663] : memref<1x512xi32, #tpu.memory_space<vmem>> -> memref<1x512xi32, #tpu.memory_space<vmem>>
    %get3A_665 = tpu.memref_squeeze %get3A_664 : memref<1x512xi32, #tpu.memory_space<vmem>> -> memref<512xi32, #tpu.memory_space<vmem>>
    %get3A_666 = arith.constant 496 : index
    %get3A_667 = tpu.vector_load %get3A_665[%get3A_666] {strides = array<i32>} : memref<512xi32, #tpu.memory_space<vmem>>, vector<16xi32>,
    %shift_right_arithmetic3A_668 = arith.constant 7 : i32
    %shift_right_arithmetic3A_669 = vector.broadcast %shift_right_arithmetic3A_668 : i32 to vector<16xi32>
    %shift_right_arithmetic3A_670 = arith.shrsi %get3A_661, %shift_right_arithmetic3A_669 : vector<16xi32>
    %shift_left3A_671 = arith.constant 4 : i32
    %shift_left3A_672 = vector.broadcast %shift_left3A_671 : i32 to vector<16xi32>
    %shift_left3A_673 = arith.shli %shift_right_arithmetic3A_670, %shift_left3A_672 : vector<16xi32>
    %add3A_674 = arith.addi %shift_left3A_673, %get3A_667 : vector<16xi32>
    %swap3A_675 = arith.constant 3 : i32
    %swap3A_676 = arith.index_cast %swap3A_675 : i32 to index
    %swap3A_677 = arith.constant 112 : index
    %swap3A_678 = tpu.vector_load %arg6[%swap3A_676, %swap3A_677] {strides = array<i32>} : memref<4x128xi32, #tpu.memory_space<vmem>>, vector<16xi32>,
    tpu.vector_store %arg6[%swap3A_676, %swap3A_677], %add3A_674 {strides = array<i32>} : memref<4x128xi32, #tpu.memory_space<vmem>>, vector<16xi32>,
    %dma_start3A = arith.constant 0 : i32
    %dma_start3A_679 = arith.constant 0 : i32
    %dma_start3A_680 = arith.constant 0 : i32
    %dma_start3A_681 = tpu.memref_slice %arg8[%dma_start3A_679, %dma_start3A_680] : memref<512x128xf32, #tpu.memory_space<vmem>> -> memref<128x128xf32, #tpu.memory_space<vmem>>
    %dma_start3A_682 = arith.constant 0 : i32
    %dma_start3A_683 = tpu.memref_slice %arg6[%dma_start3A, %dma_start3A_682] : memref<4x128xi32, #tpu.memory_space<vmem>> -> memref<1x128xi32, #tpu.memory_space<vmem>>
    %dma_start3A_684 = tpu.memref_squeeze %dma_start3A_683 : memref<1x128xi32, #tpu.memory_space<vmem>> -> memref<128xi32, #tpu.memory_space<vmem>>
    %dma_start3A_685 = arith.constant 0 : i32
    %dma_start3A_686 = arith.constant 0 : i32
    %dma_start3A_687 = tpu.memref_slice %arg3[%dma_start3A_685, %dma_start3A_686] : memref<125008x128xf32, #tpu.memory_space<hbm>> -> memref<125008x128xf32, #tpu.memory_space<hbm>>
    tpu.enqueue_indirect_dma source(%dma_start3A_687 : memref<125008x128xf32, #tpu.memory_space<hbm>>) target(%dma_start3A_681 : memref<128x128xf32, #tpu.memory_space<vmem>>) offsets(%dma_start3A_684 : memref<128xi32, #tpu.memory_space<vmem>>) semaphore(%arg10 : memref<!tpu.dma_semaphore, #tpu.memory_space<semaphore_mem>>)
    %dma_start3A_688 = arith.constant 1 : i32
    %dma_start3A_689 = arith.constant 128 : i32
    %dma_start3A_690 = arith.constant 0 : i32
    %dma_start3A_691 = tpu.memref_slice %arg8[%dma_start3A_689, %dma_start3A_690] : memref<512x128xf32, #tpu.memory_space<vmem>> -> memref<128x128xf32, #tpu.memory_space<vmem>>
    %dma_start3A_692 = arith.constant 0 : i32
    %dma_start3A_693 = tpu.memref_slice %arg6[%dma_start3A_688, %dma_start3A_692] : memref<4x128xi32, #tpu.memory_space<vmem>> -> memref<1x128xi32, #tpu.memory_space<vmem>>
    %dma_start3A_694 = tpu.memref_squeeze %dma_start3A_693 : memref<1x128xi32, #tpu.memory_space<vmem>> -> memref<128xi32, #tpu.memory_space<vmem>>
    %dma_start3A_695 = arith.constant 0 : i32
    %dma_start3A_696 = arith.constant 0 : i32
    %dma_start3A_697 = tpu.memref_slice %arg3[%dma_start3A_695, %dma_start3A_696] : memref<125008x128xf32, #tpu.memory_space<hbm>> -> memref<125008x128xf32, #tpu.memory_space<hbm>>
    tpu.enqueue_indirect_dma source(%dma_start3A_697 : memref<125008x128xf32, #tpu.memory_space<hbm>>) target(%dma_start3A_691 : memref<128x128xf32, #tpu.memory_space<vmem>>) offsets(%dma_start3A_694 : memref<128xi32, #tpu.memory_space<vmem>>) semaphore(%arg10 : memref<!tpu.dma_semaphore, #tpu.memory_space<semaphore_mem>>)
    %dma_start3A_698 = arith.constant 2 : i32
    %dma_start3A_699 = arith.constant 256 : i32
    %dma_start3A_700 = arith.constant 0 : i32
    %dma_start3A_701 = tpu.memref_slice %arg8[%dma_start3A_699, %dma_start3A_700] : memref<512x128xf32, #tpu.memory_space<vmem>> -> memref<128x128xf32, #tpu.memory_space<vmem>>
    %dma_start3A_702 = arith.constant 0 : i32
    %dma_start3A_703 = tpu.memref_slice %arg6[%dma_start3A_698, %dma_start3A_702] : memref<4x128xi32, #tpu.memory_space<vmem>> -> memref<1x128xi32, #tpu.memory_space<vmem>>
    %dma_start3A_704 = tpu.memref_squeeze %dma_start3A_703 : memref<1x128xi32, #tpu.memory_space<vmem>> -> memref<128xi32, #tpu.memory_space<vmem>>
    %dma_start3A_705 = arith.constant 0 : i32
    %dma_start3A_706 = arith.constant 0 : i32
    %dma_start3A_707 = tpu.memref_slice %arg3[%dma_start3A_705, %dma_start3A_706] : memref<125008x128xf32, #tpu.memory_space<hbm>> -> memref<125008x128xf32, #tpu.memory_space<hbm>>
    tpu.enqueue_indirect_dma source(%dma_start3A_707 : memref<125008x128xf32, #tpu.memory_space<hbm>>) target(%dma_start3A_701 : memref<128x128xf32, #tpu.memory_space<vmem>>) offsets(%dma_start3A_704 : memref<128xi32, #tpu.memory_space<vmem>>) semaphore(%arg10 : memref<!tpu.dma_semaphore, #tpu.memory_space<semaphore_mem>>)
    %dma_start3A_708 = arith.constant 3 : i32
    %dma_start3A_709 = arith.constant 384 : i32
    %dma_start3A_710 = arith.constant 0 : i32
    %dma_start3A_711 = tpu.memref_slice %arg8[%dma_start3A_709, %dma_start3A_710] : memref<512x128xf32, #tpu.memory_space<vmem>> -> memref<128x128xf32, #tpu.memory_space<vmem>>
    %dma_start3A_712 = arith.constant 0 : i32
    %dma_start3A_713 = tpu.memref_slice %arg6[%dma_start3A_708, %dma_start3A_712] : memref<4x128xi32, #tpu.memory_space<vmem>> -> memref<1x128xi32, #tpu.memory_space<vmem>>
    %dma_start3A_714 = tpu.memref_squeeze %dma_start3A_713 : memref<1x128xi32, #tpu.memory_space<vmem>> -> memref<128xi32, #tpu.memory_space<vmem>>
    %dma_start3A_715 = arith.constant 0 : i32
    %dma_start3A_716 = arith.constant 0 : i32
    %dma_start3A_717 = tpu.memref_slice %arg3[%dma_start3A_715, %dma_start3A_716] : memref<125008x128xf32, #tpu.memory_space<hbm>> -> memref<125008x128xf32, #tpu.memory_space<hbm>>
    tpu.enqueue_indirect_dma source(%dma_start3A_717 : memref<125008x128xf32, #tpu.memory_space<hbm>>) target(%dma_start3A_711 : memref<128x128xf32, #tpu.memory_space<vmem>>) offsets(%dma_start3A_714 : memref<128xi32, #tpu.memory_space<vmem>>) semaphore(%arg10 : memref<!tpu.dma_semaphore, #tpu.memory_space<semaphore_mem>>)
    %dma_wait3A = arith.constant 0 : i32
    %dma_wait3A_718 = arith.constant 0 : i32
    %dma_wait3A_719 = arith.constant 0 : i32
    %dma_wait3A_720 = tpu.memref_slice %arg8[%dma_wait3A_718, %dma_wait3A_719] : memref<512x128xf32, #tpu.memory_space<vmem>> -> memref<128x128xf32, #tpu.memory_space<vmem>>
    %dma_wait3A_721 = arith.constant 0 : i32
    %dma_wait3A_722 = tpu.memref_slice %arg6[%dma_wait3A, %dma_wait3A_721] : memref<4x128xi32, #tpu.memory_space<vmem>> -> memref<1x128xi32, #tpu.memory_space<vmem>>
    %dma_wait3A_723 = tpu.memref_squeeze %dma_wait3A_722 : memref<1x128xi32, #tpu.memory_space<vmem>> -> memref<128xi32, #tpu.memory_space<vmem>>
    %dma_wait3A_724 = arith.constant 0 : i32
    %dma_wait3A_725 = arith.constant 0 : i32
    %dma_wait3A_726 = tpu.memref_slice %arg3[%dma_wait3A_724, %dma_wait3A_725] : memref<125008x128xf32, #tpu.memory_space<hbm>> -> memref<125008x128xf32, #tpu.memory_space<hbm>>
    tpu.wait_indirect_dma semaphore(%arg10 : memref<!tpu.dma_semaphore, #tpu.memory_space<semaphore_mem>>) src(%dma_wait3A_726 : memref<125008x128xf32, #tpu.memory_space<hbm>>) dst(%dma_wait3A_720 : memref<128x128xf32, #tpu.memory_space<vmem>>)
    %dma_wait3A_727 = arith.constant 1 : i32
    %dma_wait3A_728 = arith.constant 128 : i32
    %dma_wait3A_729 = arith.constant 0 : i32
    %dma_wait3A_730 = tpu.memref_slice %arg8[%dma_wait3A_728, %dma_wait3A_729] : memref<512x128xf32, #tpu.memory_space<vmem>> -> memref<128x128xf32, #tpu.memory_space<vmem>>
    %dma_wait3A_731 = arith.constant 0 : i32
    %dma_wait3A_732 = tpu.memref_slice %arg6[%dma_wait3A_727, %dma_wait3A_731] : memref<4x128xi32, #tpu.memory_space<vmem>> -> memref<1x128xi32, #tpu.memory_space<vmem>>
    %dma_wait3A_733 = tpu.memref_squeeze %dma_wait3A_732 : memref<1x128xi32, #tpu.memory_space<vmem>> -> memref<128xi32, #tpu.memory_space<vmem>>
    %dma_wait3A_734 = arith.constant 0 : i32
    %dma_wait3A_735 = arith.constant 0 : i32
    %dma_wait3A_736 = tpu.memref_slice %arg3[%dma_wait3A_734, %dma_wait3A_735] : memref<125008x128xf32, #tpu.memory_space<hbm>> -> memref<125008x128xf32, #tpu.memory_space<hbm>>
    tpu.wait_indirect_dma semaphore(%arg10 : memref<!tpu.dma_semaphore, #tpu.memory_space<semaphore_mem>>) src(%dma_wait3A_736 : memref<125008x128xf32, #tpu.memory_space<hbm>>) dst(%dma_wait3A_730 : memref<128x128xf32, #tpu.memory_space<vmem>>)
    %dma_wait3A_737 = arith.constant 2 : i32
    %dma_wait3A_738 = arith.constant 256 : i32
    %dma_wait3A_739 = arith.constant 0 : i32
    %dma_wait3A_740 = tpu.memref_slice %arg8[%dma_wait3A_738, %dma_wait3A_739] : memref<512x128xf32, #tpu.memory_space<vmem>> -> memref<128x128xf32, #tpu.memory_space<vmem>>
    %dma_wait3A_741 = arith.constant 0 : i32
    %dma_wait3A_742 = tpu.memref_slice %arg6[%dma_wait3A_737, %dma_wait3A_741] : memref<4x128xi32, #tpu.memory_space<vmem>> -> memref<1x128xi32, #tpu.memory_space<vmem>>
    %dma_wait3A_743 = tpu.memref_squeeze %dma_wait3A_742 : memref<1x128xi32, #tpu.memory_space<vmem>> -> memref<128xi32, #tpu.memory_space<vmem>>
    %dma_wait3A_744 = arith.constant 0 : i32
    %dma_wait3A_745 = arith.constant 0 : i32
    %dma_wait3A_746 = tpu.memref_slice %arg3[%dma_wait3A_744, %dma_wait3A_745] : memref<125008x128xf32, #tpu.memory_space<hbm>> -> memref<125008x128xf32, #tpu.memory_space<hbm>>
    tpu.wait_indirect_dma semaphore(%arg10 : memref<!tpu.dma_semaphore, #tpu.memory_space<semaphore_mem>>) src(%dma_wait3A_746 : memref<125008x128xf32, #tpu.memory_space<hbm>>) dst(%dma_wait3A_740 : memref<128x128xf32, #tpu.memory_space<vmem>>)
    %dma_wait3A_747 = arith.constant 3 : i32
    %dma_wait3A_748 = arith.constant 384 : i32
    %dma_wait3A_749 = arith.constant 0 : i32
    %dma_wait3A_750 = tpu.memref_slice %arg8[%dma_wait3A_748, %dma_wait3A_749] : memref<512x128xf32, #tpu.memory_space<vmem>> -> memref<128x128xf32, #tpu.memory_space<vmem>>
    %dma_wait3A_751 = arith.constant 0 : i32
    %dma_wait3A_752 = tpu.memref_slice %arg6[%dma_wait3A_747, %dma_wait3A_751] : memref<4x128xi32, #tpu.memory_space<vmem>> -> memref<1x128xi32, #tpu.memory_space<vmem>>
    %dma_wait3A_753 = tpu.memref_squeeze %dma_wait3A_752 : memref<1x128xi32, #tpu.memory_space<vmem>> -> memref<128xi32, #tpu.memory_space<vmem>>
    %dma_wait3A_754 = arith.constant 0 : i32
    %dma_wait3A_755 = arith.constant 0 : i32
    %dma_wait3A_756 = tpu.memref_slice %arg3[%dma_wait3A_754, %dma_wait3A_755] : memref<125008x128xf32, #tpu.memory_space<hbm>> -> memref<125008x128xf32, #tpu.memory_space<hbm>>
    tpu.wait_indirect_dma semaphore(%arg10 : memref<!tpu.dma_semaphore, #tpu.memory_space<semaphore_mem>>) src(%dma_wait3A_756 : memref<125008x128xf32, #tpu.memory_space<hbm>>) dst(%dma_wait3A_750 : memref<128x128xf32, #tpu.memory_space<vmem>>)
    %iota3A = tpu.iota {dimensions = array<i32: 0>} : vector<16xi32>
    %scan3A = arith.constant 0 : i32
    %scan3A_757 = arith.constant 0 : i32
    %scan3A_758 = arith.constant 32 : i32
    %scan3A_759 = arith.addi %scan3A_757, %scan3A_758 : i32
    %scan3A_760 = arith.constant 1 : i32
    scf.for %scan3A_762 = %scan3A_757 to %scan3A_759 step %scan3A_760  : i32 {
      %mul3A_763 = arith.constant 16 : i32
      %mul3A_764 = arith.muli %scan3A_762, %mul3A_763 : i32
      %multiple_of3A = tpu.assume_multiple %mul3A_764, 16 : i32
      %jit3A = arith.constant 8 : i32
      %div3A = arith.divsi %scan3A_762, %jit3A : i32
      %sign3A = arith.constant 0 : i32
      %sign3A_765 = arith.cmpi sgt, %scan3A_762, %sign3A : i32
      %sign3A_766 = arith.extui %sign3A_765 : i1 to i32
      %sign3A_767 = arith.constant 0 : i32
      %sign3A_768 = arith.cmpi slt, %scan3A_762, %sign3A_767 : i32
      %sign3A_769 = arith.extui %sign3A_768 : i1 to i32
      %sign3A_770 = arith.subi %sign3A_766, %sign3A_769 : i32
      %sign3A_771 = arith.constant 0 : i32
      %sign3A_772 = arith.cmpi sgt, %jit3A, %sign3A_771 : i32
      %sign3A_773 = arith.extui %sign3A_772 : i1 to i32
      %sign3A_774 = arith.constant 0 : i32
      %sign3A_775 = arith.cmpi slt, %jit3A, %sign3A_774 : i32
      %sign3A_776 = arith.extui %sign3A_775 : i1 to i32
      %sign3A_777 = arith.subi %sign3A_773, %sign3A_776 : i32
      %ne3A = arith.cmpi ne, %sign3A_770, %sign3A_777 : i32
      %rem3A = arith.remsi %scan3A_762, %jit3A : i32
      %ne3A_778 = arith.constant 0 : i32
      %ne3A_779 = arith.cmpi ne, %rem3A, %ne3A_778 : i32
      %and3A = arith.andi %ne3A, %ne3A_779 : i1
      %sub3A = arith.constant 1 : i32
      %sub3A_780 = arith.subi %div3A, %sub3A : i32
      %select_n3A = arith.select %and3A, %sub3A_780, %div3A : i32
      %jit3A_781 = arith.constant 8 : i32
      %eq3A = arith.constant 0 : i32
      %eq3A_782 = arith.cmpi eq, %jit3A_781, %eq3A : i32
      %jit3A_783 = arith.constant 1 : i32
      %select_n3A_784 = arith.select %eq3A_782, %jit3A_783, %jit3A_781 : i32
      %rem3A_785 = arith.remsi %scan3A_762, %select_n3A_784 : i32
      %ne3A_786 = arith.constant 0 : i32
      %ne3A_787 = arith.cmpi ne, %rem3A_785, %ne3A_786 : i32
      %lt3A = arith.constant 0 : i32
      %lt3A_788 = arith.cmpi slt, %rem3A_785, %lt3A : i32
      %lt3A_789 = arith.constant 0 : i32
      %lt3A_790 = arith.cmpi slt, %select_n3A_784, %lt3A_789 : i32
      %ne3A_791 = arith.xori %lt3A_788, %lt3A_790 : i1
      %and3A_792 = arith.andi %ne3A_791, %ne3A_787 : i1
      %add3A_793 = arith.addi %rem3A_785, %select_n3A_784 : i32
      %select_n3A_794 = arith.select %and3A_792, %add3A_793, %rem3A_785 : i32
      %mul3A_795 = arith.constant 16 : i32
      %mul3A_796 = arith.muli %select_n3A_794, %mul3A_795 : i32
      %get3A_797 = arith.constant 0 : i32
      %get3A_798 = tpu.memref_slice %arg5[%select_n3A, %get3A_797] : memref<4x128xi32, #tpu.memory_space<vmem>> -> memref<1x128xi32, #tpu.memory_space<vmem>>
      %get3A_799 = tpu.memref_squeeze %get3A_798 : memref<1x128xi32, #tpu.memory_space<vmem>> -> memref<128xi32, #tpu.memory_space<vmem>>
      %get3A_800 = arith.index_cast %mul3A_796 : i32 to index
      %get3A_801 = tpu.vector_load %get3A_799[%get3A_800] {strides = array<i32>} : memref<128xi32, #tpu.memory_space<vmem>>, vector<16xi32>,
      %and3A_802 = arith.constant 127 : i32
      %and3A_803 = vector.broadcast %and3A_802 : i32 to vector<16xi32>
      %and3A_804 = arith.andi %get3A_801, %and3A_803 : vector<16xi32>
      %broadcast_in_dim3A = arith.constant 0.000000e+00 : f32
      %broadcast_in_dim3A_805 = vector.broadcast %broadcast_in_dim3A : f32 to vector<16xf32>
      %slice3A = vector.extract_strided_slice %and3A_804 {offsets = [0], sizes = [1], strides = [1]} : vector<16xi32> to vector<1xi32>
      %squeeze3A = vector.extract %slice3A[0] : i32 from vector<1xi32>
      %add3A_806 = arith.constant 0 : i32
      %add3A_807 = arith.addi %multiple_of3A, %add3A_806 : i32
      %shift_right_arithmetic3A_808 = arith.constant 4 : i32
      %shift_right_arithmetic3A_809 = arith.shrsi %squeeze3A, %shift_right_arithmetic3A_808 : i32
      %shift_left3A_810 = arith.constant 4 : i32
      %shift_left3A_811 = arith.shli %shift_right_arithmetic3A_809, %shift_left3A_810 : i32
      %get3A_812 = arith.constant 0 : i32
      %get3A_813 = tpu.memref_slice %arg8[%add3A_807, %get3A_812] : memref<512x128xf32, #tpu.memory_space<vmem>> -> memref<1x128xf32, #tpu.memory_space<vmem>>
      %get3A_814 = tpu.memref_squeeze %get3A_813 : memref<1x128xf32, #tpu.memory_space<vmem>> -> memref<128xf32, #tpu.memory_space<vmem>>
      %get3A_815 = arith.index_cast %shift_left3A_811 : i32 to index
      %get3A_816 = tpu.vector_load %get3A_814[%get3A_815] {strides = array<i32>} : memref<128xf32, #tpu.memory_space<vmem>>, vector<16xf32>,
      %and3A_817 = arith.constant 15 : i32
      %and3A_818 = arith.andi %squeeze3A, %and3A_817 : i32
      %broadcast_in_dim3A_819 = vector.broadcast %and3A_818 : i32 to vector<16xi32>
      %lt3A_820 = arith.constant 0 : i32
      %lt3A_821 = vector.broadcast %lt3A_820 : i32 to vector<16xi32>
      %lt3A_822 = arith.cmpi slt, %broadcast_in_dim3A_819, %lt3A_821 : vector<16xi32>
      %add3A_823 = arith.constant 16 : i32
      %add3A_824 = vector.broadcast %add3A_823 : i32 to vector<16xi32>
      %add3A_825 = arith.addi %broadcast_in_dim3A_819, %add3A_824 : vector<16xi32>
      %select_n3A_826 = arith.select %lt3A_822, %add3A_825, %broadcast_in_dim3A_819 : vector<16xi1>, vector<16xi32>
      %broadcast_in_dim3A_827 = vector.shape_cast %select_n3A_826 : vector<16xi32> to vector<16x1xi32>
      %gather3A = vector.shape_cast %broadcast_in_dim3A_827 : vector<16x1xi32> to vector<16xi32>
      %gather3A_828 = tpu.dynamic_gather %get3A_816[%gather3A] in [0] : vector<16xf32>, vector<16xi32> -> vector<16xf32>
      %eq3A_829 = arith.constant 0 : i32
      %eq3A_830 = vector.broadcast %eq3A_829 : i32 to vector<16xi32>
      %eq3A_831 = arith.cmpi eq, %iota3A, %eq3A_830 : vector<16xi32>
      %select_n3A_832 = arith.select %eq3A_831, %gather3A_828, %broadcast_in_dim3A_805 : vector<16xi1>, vector<16xf32>
      %slice3A_833 = vector.extract_strided_slice %and3A_804 {offsets = [1], sizes = [1], strides = [1]} : vector<16xi32> to vector<1xi32>
      %squeeze3A_834 = vector.extract %slice3A_833[0] : i32 from vector<1xi32>
      %add3A_835 = arith.constant 1 : i32
      %add3A_836 = arith.addi %multiple_of3A, %add3A_835 : i32
      %shift_right_arithmetic3A_837 = arith.constant 4 : i32
      %shift_right_arithmetic3A_838 = arith.shrsi %squeeze3A_834, %shift_right_arithmetic3A_837 : i32
      %shift_left3A_839 = arith.constant 4 : i32
      %shift_left3A_840 = arith.shli %shift_right_arithmetic3A_838, %shift_left3A_839 : i32
      %get3A_841 = arith.constant 0 : i32
      %get3A_842 = tpu.memref_slice %arg8[%add3A_836, %get3A_841] : memref<512x128xf32, #tpu.memory_space<vmem>> -> memref<1x128xf32, #tpu.memory_space<vmem>>
      %get3A_843 = tpu.memref_squeeze %get3A_842 : memref<1x128xf32, #tpu.memory_space<vmem>> -> memref<128xf32, #tpu.memory_space<vmem>>
      %get3A_844 = arith.index_cast %shift_left3A_840 : i32 to index
      %get3A_845 = tpu.vector_load %get3A_843[%get3A_844] {strides = array<i32>} : memref<128xf32, #tpu.memory_space<vmem>>, vector<16xf32>,
      %and3A_846 = arith.constant 15 : i32
      %and3A_847 = arith.andi %squeeze3A_834, %and3A_846 : i32
      %broadcast_in_dim3A_848 = vector.broadcast %and3A_847 : i32 to vector<16xi32>
      %lt3A_849 = arith.constant 0 : i32
      %lt3A_850 = vector.broadcast %lt3A_849 : i32 to vector<16xi32>
      %lt3A_851 = arith.cmpi slt, %broadcast_in_dim3A_848, %lt3A_850 : vector<16xi32>
      %add3A_852 = arith.constant 16 : i32
      %add3A_853 = vector.broadcast %add3A_852 : i32 to vector<16xi32>
      %add3A_854 = arith.addi %broadcast_in_dim3A_848, %add3A_853 : vector<16xi32>
      %select_n3A_855 = arith.select %lt3A_851, %add3A_854, %broadcast_in_dim3A_848 : vector<16xi1>, vector<16xi32>
      %broadcast_in_dim3A_856 = vector.shape_cast %select_n3A_855 : vector<16xi32> to vector<16x1xi32>
      %gather3A_857 = vector.shape_cast %broadcast_in_dim3A_856 : vector<16x1xi32> to vector<16xi32>
      %gather3A_858 = tpu.dynamic_gather %get3A_845[%gather3A_857] in [0] : vector<16xf32>, vector<16xi32> -> vector<16xf32>
      %eq3A_859 = arith.constant 1 : i32
      %eq3A_860 = vector.broadcast %eq3A_859 : i32 to vector<16xi32>
      %eq3A_861 = arith.cmpi eq, %iota3A, %eq3A_860 : vector<16xi32>
      %select_n3A_862 = arith.select %eq3A_861, %gather3A_858, %select_n3A_832 : vector<16xi1>, vector<16xf32>
      %slice3A_863 = vector.extract_strided_slice %and3A_804 {offsets = [2], sizes = [1], strides = [1]} : vector<16xi32> to vector<1xi32>
      %squeeze3A_864 = vector.extract %slice3A_863[0] : i32 from vector<1xi32>
      %add3A_865 = arith.constant 2 : i32
      %add3A_866 = arith.addi %multiple_of3A, %add3A_865 : i32
      %shift_right_arithmetic3A_867 = arith.constant 4 : i32
      %shift_right_arithmetic3A_868 = arith.shrsi %squeeze3A_864, %shift_right_arithmetic3A_867 : i32
      %shift_left3A_869 = arith.constant 4 : i32
      %shift_left3A_870 = arith.shli %shift_right_arithmetic3A_868, %shift_left3A_869 : i32
      %get3A_871 = arith.constant 0 : i32
      %get3A_872 = tpu.memref_slice %arg8[%add3A_866, %get3A_871] : memref<512x128xf32, #tpu.memory_space<vmem>> -> memref<1x128xf32, #tpu.memory_space<vmem>>
      %get3A_873 = tpu.memref_squeeze %get3A_872 : memref<1x128xf32, #tpu.memory_space<vmem>> -> memref<128xf32, #tpu.memory_space<vmem>>
      %get3A_874 = arith.index_cast %shift_left3A_870 : i32 to index
      %get3A_875 = tpu.vector_load %get3A_873[%get3A_874] {strides = array<i32>} : memref<128xf32, #tpu.memory_space<vmem>>, vector<16xf32>,
      %and3A_876 = arith.constant 15 : i32
      %and3A_877 = arith.andi %squeeze3A_864, %and3A_876 : i32
      %broadcast_in_dim3A_878 = vector.broadcast %and3A_877 : i32 to vector<16xi32>
      %lt3A_879 = arith.constant 0 : i32
      %lt3A_880 = vector.broadcast %lt3A_879 : i32 to vector<16xi32>
      %lt3A_881 = arith.cmpi slt, %broadcast_in_dim3A_878, %lt3A_880 : vector<16xi32>
      %add3A_882 = arith.constant 16 : i32
      %add3A_883 = vector.broadcast %add3A_882 : i32 to vector<16xi32>
      %add3A_884 = arith.addi %broadcast_in_dim3A_878, %add3A_883 : vector<16xi32>
      %select_n3A_885 = arith.select %lt3A_881, %add3A_884, %broadcast_in_dim3A_878 : vector<16xi1>, vector<16xi32>
      %broadcast_in_dim3A_886 = vector.shape_cast %select_n3A_885 : vector<16xi32> to vector<16x1xi32>
      %gather3A_887 = vector.shape_cast %broadcast_in_dim3A_886 : vector<16x1xi32> to vector<16xi32>
      %gather3A_888 = tpu.dynamic_gather %get3A_875[%gather3A_887] in [0] : vector<16xf32>, vector<16xi32> -> vector<16xf32>
      %eq3A_889 = arith.constant 2 : i32
      %eq3A_890 = vector.broadcast %eq3A_889 : i32 to vector<16xi32>
      %eq3A_891 = arith.cmpi eq, %iota3A, %eq3A_890 : vector<16xi32>
      %select_n3A_892 = arith.select %eq3A_891, %gather3A_888, %select_n3A_862 : vector<16xi1>, vector<16xf32>
      %slice3A_893 = vector.extract_strided_slice %and3A_804 {offsets = [3], sizes = [1], strides = [1]} : vector<16xi32> to vector<1xi32>
      %squeeze3A_894 = vector.extract %slice3A_893[0] : i32 from vector<1xi32>
      %add3A_895 = arith.constant 3 : i32
      %add3A_896 = arith.addi %multiple_of3A, %add3A_895 : i32
      %shift_right_arithmetic3A_897 = arith.constant 4 : i32
      %shift_right_arithmetic3A_898 = arith.shrsi %squeeze3A_894, %shift_right_arithmetic3A_897 : i32
      %shift_left3A_899 = arith.constant 4 : i32
      %shift_left3A_900 = arith.shli %shift_right_arithmetic3A_898, %shift_left3A_899 : i32
      %get3A_901 = arith.constant 0 : i32
      %get3A_902 = tpu.memref_slice %arg8[%add3A_896, %get3A_901] : memref<512x128xf32, #tpu.memory_space<vmem>> -> memref<1x128xf32, #tpu.memory_space<vmem>>
      %get3A_903 = tpu.memref_squeeze %get3A_902 : memref<1x128xf32, #tpu.memory_space<vmem>> -> memref<128xf32, #tpu.memory_space<vmem>>
      %get3A_904 = arith.index_cast %shift_left3A_900 : i32 to index
      %get3A_905 = tpu.vector_load %get3A_903[%get3A_904] {strides = array<i32>} : memref<128xf32, #tpu.memory_space<vmem>>, vector<16xf32>,
      %and3A_906 = arith.constant 15 : i32
      %and3A_907 = arith.andi %squeeze3A_894, %and3A_906 : i32
      %broadcast_in_dim3A_908 = vector.broadcast %and3A_907 : i32 to vector<16xi32>
      %lt3A_909 = arith.constant 0 : i32
      %lt3A_910 = vector.broadcast %lt3A_909 : i32 to vector<16xi32>
      %lt3A_911 = arith.cmpi slt, %broadcast_in_dim3A_908, %lt3A_910 : vector<16xi32>
      %add3A_912 = arith.constant 16 : i32
      %add3A_913 = vector.broadcast %add3A_912 : i32 to vector<16xi32>
      %add3A_914 = arith.addi %broadcast_in_dim3A_908, %add3A_913 : vector<16xi32>
      %select_n3A_915 = arith.select %lt3A_911, %add3A_914, %broadcast_in_dim3A_908 : vector<16xi1>, vector<16xi32>
      %broadcast_in_dim3A_916 = vector.shape_cast %select_n3A_915 : vector<16xi32> to vector<16x1xi32>
      %gather3A_917 = vector.shape_cast %broadcast_in_dim3A_916 : vector<16x1xi32> to vector<16xi32>
      %gather3A_918 = tpu.dynamic_gather %get3A_905[%gather3A_917] in [0] : vector<16xf32>, vector<16xi32> -> vector<16xf32>
      %eq3A_919 = arith.constant 3 : i32
      %eq3A_920 = vector.broadcast %eq3A_919 : i32 to vector<16xi32>
      %eq3A_921 = arith.cmpi eq, %iota3A, %eq3A_920 : vector<16xi32>
      %select_n3A_922 = arith.select %eq3A_921, %gather3A_918, %select_n3A_892 : vector<16xi1>, vector<16xf32>
      %slice3A_923 = vector.extract_strided_slice %and3A_804 {offsets = [4], sizes = [1], strides = [1]} : vector<16xi32> to vector<1xi32>
      %squeeze3A_924 = vector.extract %slice3A_923[0] : i32 from vector<1xi32>
      %add3A_925 = arith.constant 4 : i32
      %add3A_926 = arith.addi %multiple_of3A, %add3A_925 : i32
      %shift_right_arithmetic3A_927 = arith.constant 4 : i32
      %shift_right_arithmetic3A_928 = arith.shrsi %squeeze3A_924, %shift_right_arithmetic3A_927 : i32
      %shift_left3A_929 = arith.constant 4 : i32
      %shift_left3A_930 = arith.shli %shift_right_arithmetic3A_928, %shift_left3A_929 : i32
      %get3A_931 = arith.constant 0 : i32
      %get3A_932 = tpu.memref_slice %arg8[%add3A_926, %get3A_931] : memref<512x128xf32, #tpu.memory_space<vmem>> -> memref<1x128xf32, #tpu.memory_space<vmem>>
      %get3A_933 = tpu.memref_squeeze %get3A_932 : memref<1x128xf32, #tpu.memory_space<vmem>> -> memref<128xf32, #tpu.memory_space<vmem>>
      %get3A_934 = arith.index_cast %shift_left3A_930 : i32 to index
      %get3A_935 = tpu.vector_load %get3A_933[%get3A_934] {strides = array<i32>} : memref<128xf32, #tpu.memory_space<vmem>>, vector<16xf32>,
      %and3A_936 = arith.constant 15 : i32
      %and3A_937 = arith.andi %squeeze3A_924, %and3A_936 : i32
      %broadcast_in_dim3A_938 = vector.broadcast %and3A_937 : i32 to vector<16xi32>
      %lt3A_939 = arith.constant 0 : i32
      %lt3A_940 = vector.broadcast %lt3A_939 : i32 to vector<16xi32>
      %lt3A_941 = arith.cmpi slt, %broadcast_in_dim3A_938, %lt3A_940 : vector<16xi32>
      %add3A_942 = arith.constant 16 : i32
      %add3A_943 = vector.broadcast %add3A_942 : i32 to vector<16xi32>
      %add3A_944 = arith.addi %broadcast_in_dim3A_938, %add3A_943 : vector<16xi32>
      %select_n3A_945 = arith.select %lt3A_941, %add3A_944, %broadcast_in_dim3A_938 : vector<16xi1>, vector<16xi32>
      %broadcast_in_dim3A_946 = vector.shape_cast %select_n3A_945 : vector<16xi32> to vector<16x1xi32>
      %gather3A_947 = vector.shape_cast %broadcast_in_dim3A_946 : vector<16x1xi32> to vector<16xi32>
      %gather3A_948 = tpu.dynamic_gather %get3A_935[%gather3A_947] in [0] : vector<16xf32>, vector<16xi32> -> vector<16xf32>
      %eq3A_949 = arith.constant 4 : i32
      %eq3A_950 = vector.broadcast %eq3A_949 : i32 to vector<16xi32>
      %eq3A_951 = arith.cmpi eq, %iota3A, %eq3A_950 : vector<16xi32>
      %select_n3A_952 = arith.select %eq3A_951, %gather3A_948, %select_n3A_922 : vector<16xi1>, vector<16xf32>
      %slice3A_953 = vector.extract_strided_slice %and3A_804 {offsets = [5], sizes = [1], strides = [1]} : vector<16xi32> to vector<1xi32>
      %squeeze3A_954 = vector.extract %slice3A_953[0] : i32 from vector<1xi32>
      %add3A_955 = arith.constant 5 : i32
      %add3A_956 = arith.addi %multiple_of3A, %add3A_955 : i32
      %shift_right_arithmetic3A_957 = arith.constant 4 : i32
      %shift_right_arithmetic3A_958 = arith.shrsi %squeeze3A_954, %shift_right_arithmetic3A_957 : i32
      %shift_left3A_959 = arith.constant 4 : i32
      %shift_left3A_960 = arith.shli %shift_right_arithmetic3A_958, %shift_left3A_959 : i32
      %get3A_961 = arith.constant 0 : i32
      %get3A_962 = tpu.memref_slice %arg8[%add3A_956, %get3A_961] : memref<512x128xf32, #tpu.memory_space<vmem>> -> memref<1x128xf32, #tpu.memory_space<vmem>>
      %get3A_963 = tpu.memref_squeeze %get3A_962 : memref<1x128xf32, #tpu.memory_space<vmem>> -> memref<128xf32, #tpu.memory_space<vmem>>
      %get3A_964 = arith.index_cast %shift_left3A_960 : i32 to index
      %get3A_965 = tpu.vector_load %get3A_963[%get3A_964] {strides = array<i32>} : memref<128xf32, #tpu.memory_space<vmem>>, vector<16xf32>,
      %and3A_966 = arith.constant 15 : i32
      %and3A_967 = arith.andi %squeeze3A_954, %and3A_966 : i32
      %broadcast_in_dim3A_968 = vector.broadcast %and3A_967 : i32 to vector<16xi32>
      %lt3A_969 = arith.constant 0 : i32
      %lt3A_970 = vector.broadcast %lt3A_969 : i32 to vector<16xi32>
      %lt3A_971 = arith.cmpi slt, %broadcast_in_dim3A_968, %lt3A_970 : vector<16xi32>
      %add3A_972 = arith.constant 16 : i32
      %add3A_973 = vector.broadcast %add3A_972 : i32 to vector<16xi32>
      %add3A_974 = arith.addi %broadcast_in_dim3A_968, %add3A_973 : vector<16xi32>
      %select_n3A_975 = arith.select %lt3A_971, %add3A_974, %broadcast_in_dim3A_968 : vector<16xi1>, vector<16xi32>
      %broadcast_in_dim3A_976 = vector.shape_cast %select_n3A_975 : vector<16xi32> to vector<16x1xi32>
      %gather3A_977 = vector.shape_cast %broadcast_in_dim3A_976 : vector<16x1xi32> to vector<16xi32>
      %gather3A_978 = tpu.dynamic_gather %get3A_965[%gather3A_977] in [0] : vector<16xf32>, vector<16xi32> -> vector<16xf32>
      %eq3A_979 = arith.constant 5 : i32
      %eq3A_980 = vector.broadcast %eq3A_979 : i32 to vector<16xi32>
      %eq3A_981 = arith.cmpi eq, %iota3A, %eq3A_980 : vector<16xi32>
      %select_n3A_982 = arith.select %eq3A_981, %gather3A_978, %select_n3A_952 : vector<16xi1>, vector<16xf32>
      %slice3A_983 = vector.extract_strided_slice %and3A_804 {offsets = [6], sizes = [1], strides = [1]} : vector<16xi32> to vector<1xi32>
      %squeeze3A_984 = vector.extract %slice3A_983[0] : i32 from vector<1xi32>
      %add3A_985 = arith.constant 6 : i32
      %add3A_986 = arith.addi %multiple_of3A, %add3A_985 : i32
      %shift_right_arithmetic3A_987 = arith.constant 4 : i32
      %shift_right_arithmetic3A_988 = arith.shrsi %squeeze3A_984, %shift_right_arithmetic3A_987 : i32
      %shift_left3A_989 = arith.constant 4 : i32
      %shift_left3A_990 = arith.shli %shift_right_arithmetic3A_988, %shift_left3A_989 : i32
      %get3A_991 = arith.constant 0 : i32
      %get3A_992 = tpu.memref_slice %arg8[%add3A_986, %get3A_991] : memref<512x128xf32, #tpu.memory_space<vmem>> -> memref<1x128xf32, #tpu.memory_space<vmem>>
      %get3A_993 = tpu.memref_squeeze %get3A_992 : memref<1x128xf32, #tpu.memory_space<vmem>> -> memref<128xf32, #tpu.memory_space<vmem>>
      %get3A_994 = arith.index_cast %shift_left3A_990 : i32 to index
      %get3A_995 = tpu.vector_load %get3A_993[%get3A_994] {strides = array<i32>} : memref<128xf32, #tpu.memory_space<vmem>>, vector<16xf32>,
      %and3A_996 = arith.constant 15 : i32
      %and3A_997 = arith.andi %squeeze3A_984, %and3A_996 : i32
      %broadcast_in_dim3A_998 = vector.broadcast %and3A_997 : i32 to vector<16xi32>
      %lt3A_999 = arith.constant 0 : i32
      %lt3A_1000 = vector.broadcast %lt3A_999 : i32 to vector<16xi32>
      %lt3A_1001 = arith.cmpi slt, %broadcast_in_dim3A_998, %lt3A_1000 : vector<16xi32>
      %add3A_1002 = arith.constant 16 : i32
      %add3A_1003 = vector.broadcast %add3A_1002 : i32 to vector<16xi32>
      %add3A_1004 = arith.addi %broadcast_in_dim3A_998, %add3A_1003 : vector<16xi32>
      %select_n3A_1005 = arith.select %lt3A_1001, %add3A_1004, %broadcast_in_dim3A_998 : vector<16xi1>, vector<16xi32>
      %broadcast_in_dim3A_1006 = vector.shape_cast %select_n3A_1005 : vector<16xi32> to vector<16x1xi32>
      %gather3A_1007 = vector.shape_cast %broadcast_in_dim3A_1006 : vector<16x1xi32> to vector<16xi32>
      %gather3A_1008 = tpu.dynamic_gather %get3A_995[%gather3A_1007] in [0] : vector<16xf32>, vector<16xi32> -> vector<16xf32>
      %eq3A_1009 = arith.constant 6 : i32
      %eq3A_1010 = vector.broadcast %eq3A_1009 : i32 to vector<16xi32>
      %eq3A_1011 = arith.cmpi eq, %iota3A, %eq3A_1010 : vector<16xi32>
      %select_n3A_1012 = arith.select %eq3A_1011, %gather3A_1008, %select_n3A_982 : vector<16xi1>, vector<16xf32>
      %slice3A_1013 = vector.extract_strided_slice %and3A_804 {offsets = [7], sizes = [1], strides = [1]} : vector<16xi32> to vector<1xi32>
      %squeeze3A_1014 = vector.extract %slice3A_1013[0] : i32 from vector<1xi32>
      %add3A_1015 = arith.constant 7 : i32
      %add3A_1016 = arith.addi %multiple_of3A, %add3A_1015 : i32
      %shift_right_arithmetic3A_1017 = arith.constant 4 : i32
      %shift_right_arithmetic3A_1018 = arith.shrsi %squeeze3A_1014, %shift_right_arithmetic3A_1017 : i32
      %shift_left3A_1019 = arith.constant 4 : i32
      %shift_left3A_1020 = arith.shli %shift_right_arithmetic3A_1018, %shift_left3A_1019 : i32
      %get3A_1021 = arith.constant 0 : i32
      %get3A_1022 = tpu.memref_slice %arg8[%add3A_1016, %get3A_1021] : memref<512x128xf32, #tpu.memory_space<vmem>> -> memref<1x128xf32, #tpu.memory_space<vmem>>
      %get3A_1023 = tpu.memref_squeeze %get3A_1022 : memref<1x128xf32, #tpu.memory_space<vmem>> -> memref<128xf32, #tpu.memory_space<vmem>>
      %get3A_1024 = arith.index_cast %shift_left3A_1020 : i32 to index
      %get3A_1025 = tpu.vector_load %get3A_1023[%get3A_1024] {strides = array<i32>} : memref<128xf32, #tpu.memory_space<vmem>>, vector<16xf32>,
      %and3A_1026 = arith.constant 15 : i32
      %and3A_1027 = arith.andi %squeeze3A_1014, %and3A_1026 : i32
      %broadcast_in_dim3A_1028 = vector.broadcast %and3A_1027 : i32 to vector<16xi32>
      %lt3A_1029 = arith.constant 0 : i32
      %lt3A_1030 = vector.broadcast %lt3A_1029 : i32 to vector<16xi32>
      %lt3A_1031 = arith.cmpi slt, %broadcast_in_dim3A_1028, %lt3A_1030 : vector<16xi32>
      %add3A_1032 = arith.constant 16 : i32
      %add3A_1033 = vector.broadcast %add3A_1032 : i32 to vector<16xi32>
      %add3A_1034 = arith.addi %broadcast_in_dim3A_1028, %add3A_1033 : vector<16xi32>
      %select_n3A_1035 = arith.select %lt3A_1031, %add3A_1034, %broadcast_in_dim3A_1028 : vector<16xi1>, vector<16xi32>
      %broadcast_in_dim3A_1036 = vector.shape_cast %select_n3A_1035 : vector<16xi32> to vector<16x1xi32>
      %gather3A_1037 = vector.shape_cast %broadcast_in_dim3A_1036 : vector<16x1xi32> to vector<16xi32>
      %gather3A_1038 = tpu.dynamic_gather %get3A_1025[%gather3A_1037] in [0] : vector<16xf32>, vector<16xi32> -> vector<16xf32>
      %eq3A_1039 = arith.constant 7 : i32
      %eq3A_1040 = vector.broadcast %eq3A_1039 : i32 to vector<16xi32>
      %eq3A_1041 = arith.cmpi eq, %iota3A, %eq3A_1040 : vector<16xi32>
      %select_n3A_1042 = arith.select %eq3A_1041, %gather3A_1038, %select_n3A_1012 : vector<16xi1>, vector<16xf32>
      %slice3A_1043 = vector.extract_strided_slice %and3A_804 {offsets = [8], sizes = [1], strides = [1]} : vector<16xi32> to vector<1xi32>
      %squeeze3A_1044 = vector.extract %slice3A_1043[0] : i32 from vector<1xi32>
      %add3A_1045 = arith.constant 8 : i32
      %add3A_1046 = arith.addi %multiple_of3A, %add3A_1045 : i32
      %shift_right_arithmetic3A_1047 = arith.constant 4 : i32
      %shift_right_arithmetic3A_1048 = arith.shrsi %squeeze3A_1044, %shift_right_arithmetic3A_1047 : i32
      %shift_left3A_1049 = arith.constant 4 : i32
      %shift_left3A_1050 = arith.shli %shift_right_arithmetic3A_1048, %shift_left3A_1049 : i32
      %get3A_1051 = arith.constant 0 : i32
      %get3A_1052 = tpu.memref_slice %arg8[%add3A_1046, %get3A_1051] : memref<512x128xf32, #tpu.memory_space<vmem>> -> memref<1x128xf32, #tpu.memory_space<vmem>>
      %get3A_1053 = tpu.memref_squeeze %get3A_1052 : memref<1x128xf32, #tpu.memory_space<vmem>> -> memref<128xf32, #tpu.memory_space<vmem>>
      %get3A_1054 = arith.index_cast %shift_left3A_1050 : i32 to index
      %get3A_1055 = tpu.vector_load %get3A_1053[%get3A_1054] {strides = array<i32>} : memref<128xf32, #tpu.memory_space<vmem>>, vector<16xf32>,
      %and3A_1056 = arith.constant 15 : i32
      %and3A_1057 = arith.andi %squeeze3A_1044, %and3A_1056 : i32
      %broadcast_in_dim3A_1058 = vector.broadcast %and3A_1057 : i32 to vector<16xi32>
      %lt3A_1059 = arith.constant 0 : i32
      %lt3A_1060 = vector.broadcast %lt3A_1059 : i32 to vector<16xi32>
      %lt3A_1061 = arith.cmpi slt, %broadcast_in_dim3A_1058, %lt3A_1060 : vector<16xi32>
      %add3A_1062 = arith.constant 16 : i32
      %add3A_1063 = vector.broadcast %add3A_1062 : i32 to vector<16xi32>
      %add3A_1064 = arith.addi %broadcast_in_dim3A_1058, %add3A_1063 : vector<16xi32>
      %select_n3A_1065 = arith.select %lt3A_1061, %add3A_1064, %broadcast_in_dim3A_1058 : vector<16xi1>, vector<16xi32>
      %broadcast_in_dim3A_1066 = vector.shape_cast %select_n3A_1065 : vector<16xi32> to vector<16x1xi32>
      %gather3A_1067 = vector.shape_cast %broadcast_in_dim3A_1066 : vector<16x1xi32> to vector<16xi32>
      %gather3A_1068 = tpu.dynamic_gather %get3A_1055[%gather3A_1067] in [0] : vector<16xf32>, vector<16xi32> -> vector<16xf32>
      %eq3A_1069 = arith.constant 8 : i32
      %eq3A_1070 = vector.broadcast %eq3A_1069 : i32 to vector<16xi32>
      %eq3A_1071 = arith.cmpi eq, %iota3A, %eq3A_1070 : vector<16xi32>
      %select_n3A_1072 = arith.select %eq3A_1071, %gather3A_1068, %select_n3A_1042 : vector<16xi1>, vector<16xf32>
      %slice3A_1073 = vector.extract_strided_slice %and3A_804 {offsets = [9], sizes = [1], strides = [1]} : vector<16xi32> to vector<1xi32>
      %squeeze3A_1074 = vector.extract %slice3A_1073[0] : i32 from vector<1xi32>
      %add3A_1075 = arith.constant 9 : i32
      %add3A_1076 = arith.addi %multiple_of3A, %add3A_1075 : i32
      %shift_right_arithmetic3A_1077 = arith.constant 4 : i32
      %shift_right_arithmetic3A_1078 = arith.shrsi %squeeze3A_1074, %shift_right_arithmetic3A_1077 : i32
      %shift_left3A_1079 = arith.constant 4 : i32
      %shift_left3A_1080 = arith.shli %shift_right_arithmetic3A_1078, %shift_left3A_1079 : i32
      %get3A_1081 = arith.constant 0 : i32
      %get3A_1082 = tpu.memref_slice %arg8[%add3A_1076, %get3A_1081] : memref<512x128xf32, #tpu.memory_space<vmem>> -> memref<1x128xf32, #tpu.memory_space<vmem>>
      %get3A_1083 = tpu.memref_squeeze %get3A_1082 : memref<1x128xf32, #tpu.memory_space<vmem>> -> memref<128xf32, #tpu.memory_space<vmem>>
      %get3A_1084 = arith.index_cast %shift_left3A_1080 : i32 to index
      %get3A_1085 = tpu.vector_load %get3A_1083[%get3A_1084] {strides = array<i32>} : memref<128xf32, #tpu.memory_space<vmem>>, vector<16xf32>,
      %and3A_1086 = arith.constant 15 : i32
      %and3A_1087 = arith.andi %squeeze3A_1074, %and3A_1086 : i32
      %broadcast_in_dim3A_1088 = vector.broadcast %and3A_1087 : i32 to vector<16xi32>
      %lt3A_1089 = arith.constant 0 : i32
      %lt3A_1090 = vector.broadcast %lt3A_1089 : i32 to vector<16xi32>
      %lt3A_1091 = arith.cmpi slt, %broadcast_in_dim3A_1088, %lt3A_1090 : vector<16xi32>
      %add3A_1092 = arith.constant 16 : i32
      %add3A_1093 = vector.broadcast %add3A_1092 : i32 to vector<16xi32>
      %add3A_1094 = arith.addi %broadcast_in_dim3A_1088, %add3A_1093 : vector<16xi32>
      %select_n3A_1095 = arith.select %lt3A_1091, %add3A_1094, %broadcast_in_dim3A_1088 : vector<16xi1>, vector<16xi32>
      %broadcast_in_dim3A_1096 = vector.shape_cast %select_n3A_1095 : vector<16xi32> to vector<16x1xi32>
      %gather3A_1097 = vector.shape_cast %broadcast_in_dim3A_1096 : vector<16x1xi32> to vector<16xi32>
      %gather3A_1098 = tpu.dynamic_gather %get3A_1085[%gather3A_1097] in [0] : vector<16xf32>, vector<16xi32> -> vector<16xf32>
      %eq3A_1099 = arith.constant 9 : i32
      %eq3A_1100 = vector.broadcast %eq3A_1099 : i32 to vector<16xi32>
      %eq3A_1101 = arith.cmpi eq, %iota3A, %eq3A_1100 : vector<16xi32>
      %select_n3A_1102 = arith.select %eq3A_1101, %gather3A_1098, %select_n3A_1072 : vector<16xi1>, vector<16xf32>
      %slice3A_1103 = vector.extract_strided_slice %and3A_804 {offsets = [10], sizes = [1], strides = [1]} : vector<16xi32> to vector<1xi32>
      %squeeze3A_1104 = vector.extract %slice3A_1103[0] : i32 from vector<1xi32>
      %add3A_1105 = arith.constant 10 : i32
      %add3A_1106 = arith.addi %multiple_of3A, %add3A_1105 : i32
      %shift_right_arithmetic3A_1107 = arith.constant 4 : i32
      %shift_right_arithmetic3A_1108 = arith.shrsi %squeeze3A_1104, %shift_right_arithmetic3A_1107 : i32
      %shift_left3A_1109 = arith.constant 4 : i32
      %shift_left3A_1110 = arith.shli %shift_right_arithmetic3A_1108, %shift_left3A_1109 : i32
      %get3A_1111 = arith.constant 0 : i32
      %get3A_1112 = tpu.memref_slice %arg8[%add3A_1106, %get3A_1111] : memref<512x128xf32, #tpu.memory_space<vmem>> -> memref<1x128xf32, #tpu.memory_space<vmem>>
      %get3A_1113 = tpu.memref_squeeze %get3A_1112 : memref<1x128xf32, #tpu.memory_space<vmem>> -> memref<128xf32, #tpu.memory_space<vmem>>
      %get3A_1114 = arith.index_cast %shift_left3A_1110 : i32 to index
      %get3A_1115 = tpu.vector_load %get3A_1113[%get3A_1114] {strides = array<i32>} : memref<128xf32, #tpu.memory_space<vmem>>, vector<16xf32>,
      %and3A_1116 = arith.constant 15 : i32
      %and3A_1117 = arith.andi %squeeze3A_1104, %and3A_1116 : i32
      %broadcast_in_dim3A_1118 = vector.broadcast %and3A_1117 : i32 to vector<16xi32>
      %lt3A_1119 = arith.constant 0 : i32
      %lt3A_1120 = vector.broadcast %lt3A_1119 : i32 to vector<16xi32>
      %lt3A_1121 = arith.cmpi slt, %broadcast_in_dim3A_1118, %lt3A_1120 : vector<16xi32>
      %add3A_1122 = arith.constant 16 : i32
      %add3A_1123 = vector.broadcast %add3A_1122 : i32 to vector<16xi32>
      %add3A_1124 = arith.addi %broadcast_in_dim3A_1118, %add3A_1123 : vector<16xi32>
      %select_n3A_1125 = arith.select %lt3A_1121, %add3A_1124, %broadcast_in_dim3A_1118 : vector<16xi1>, vector<16xi32>
      %broadcast_in_dim3A_1126 = vector.shape_cast %select_n3A_1125 : vector<16xi32> to vector<16x1xi32>
      %gather3A_1127 = vector.shape_cast %broadcast_in_dim3A_1126 : vector<16x1xi32> to vector<16xi32>
      %gather3A_1128 = tpu.dynamic_gather %get3A_1115[%gather3A_1127] in [0] : vector<16xf32>, vector<16xi32> -> vector<16xf32>
      %eq3A_1129 = arith.constant 10 : i32
      %eq3A_1130 = vector.broadcast %eq3A_1129 : i32 to vector<16xi32>
      %eq3A_1131 = arith.cmpi eq, %iota3A, %eq3A_1130 : vector<16xi32>
      %select_n3A_1132 = arith.select %eq3A_1131, %gather3A_1128, %select_n3A_1102 : vector<16xi1>, vector<16xf32>
      %slice3A_1133 = vector.extract_strided_slice %and3A_804 {offsets = [11], sizes = [1], strides = [1]} : vector<16xi32> to vector<1xi32>
      %squeeze3A_1134 = vector.extract %slice3A_1133[0] : i32 from vector<1xi32>
      %add3A_1135 = arith.constant 11 : i32
      %add3A_1136 = arith.addi %multiple_of3A, %add3A_1135 : i32
      %shift_right_arithmetic3A_1137 = arith.constant 4 : i32
      %shift_right_arithmetic3A_1138 = arith.shrsi %squeeze3A_1134, %shift_right_arithmetic3A_1137 : i32
      %shift_left3A_1139 = arith.constant 4 : i32
      %shift_left3A_1140 = arith.shli %shift_right_arithmetic3A_1138, %shift_left3A_1139 : i32
      %get3A_1141 = arith.constant 0 : i32
      %get3A_1142 = tpu.memref_slice %arg8[%add3A_1136, %get3A_1141] : memref<512x128xf32, #tpu.memory_space<vmem>> -> memref<1x128xf32, #tpu.memory_space<vmem>>
      %get3A_1143 = tpu.memref_squeeze %get3A_1142 : memref<1x128xf32, #tpu.memory_space<vmem>> -> memref<128xf32, #tpu.memory_space<vmem>>
      %get3A_1144 = arith.index_cast %shift_left3A_1140 : i32 to index
      %get3A_1145 = tpu.vector_load %get3A_1143[%get3A_1144] {strides = array<i32>} : memref<128xf32, #tpu.memory_space<vmem>>, vector<16xf32>,
      %and3A_1146 = arith.constant 15 : i32
      %and3A_1147 = arith.andi %squeeze3A_1134, %and3A_1146 : i32
      %broadcast_in_dim3A_1148 = vector.broadcast %and3A_1147 : i32 to vector<16xi32>
      %lt3A_1149 = arith.constant 0 : i32
      %lt3A_1150 = vector.broadcast %lt3A_1149 : i32 to vector<16xi32>
      %lt3A_1151 = arith.cmpi slt, %broadcast_in_dim3A_1148, %lt3A_1150 : vector<16xi32>
      %add3A_1152 = arith.constant 16 : i32
      %add3A_1153 = vector.broadcast %add3A_1152 : i32 to vector<16xi32>
      %add3A_1154 = arith.addi %broadcast_in_dim3A_1148, %add3A_1153 : vector<16xi32>
      %select_n3A_1155 = arith.select %lt3A_1151, %add3A_1154, %broadcast_in_dim3A_1148 : vector<16xi1>, vector<16xi32>
      %broadcast_in_dim3A_1156 = vector.shape_cast %select_n3A_1155 : vector<16xi32> to vector<16x1xi32>
      %gather3A_1157 = vector.shape_cast %broadcast_in_dim3A_1156 : vector<16x1xi32> to vector<16xi32>
      %gather3A_1158 = tpu.dynamic_gather %get3A_1145[%gather3A_1157] in [0] : vector<16xf32>, vector<16xi32> -> vector<16xf32>
      %eq3A_1159 = arith.constant 11 : i32
      %eq3A_1160 = vector.broadcast %eq3A_1159 : i32 to vector<16xi32>
      %eq3A_1161 = arith.cmpi eq, %iota3A, %eq3A_1160 : vector<16xi32>
      %select_n3A_1162 = arith.select %eq3A_1161, %gather3A_1158, %select_n3A_1132 : vector<16xi1>, vector<16xf32>
      %slice3A_1163 = vector.extract_strided_slice %and3A_804 {offsets = [12], sizes = [1], strides = [1]} : vector<16xi32> to vector<1xi32>
      %squeeze3A_1164 = vector.extract %slice3A_1163[0] : i32 from vector<1xi32>
      %add3A_1165 = arith.constant 12 : i32
      %add3A_1166 = arith.addi %multiple_of3A, %add3A_1165 : i32
      %shift_right_arithmetic3A_1167 = arith.constant 4 : i32
      %shift_right_arithmetic3A_1168 = arith.shrsi %squeeze3A_1164, %shift_right_arithmetic3A_1167 : i32
      %shift_left3A_1169 = arith.constant 4 : i32
      %shift_left3A_1170 = arith.shli %shift_right_arithmetic3A_1168, %shift_left3A_1169 : i32
      %get3A_1171 = arith.constant 0 : i32
      %get3A_1172 = tpu.memref_slice %arg8[%add3A_1166, %get3A_1171] : memref<512x128xf32, #tpu.memory_space<vmem>> -> memref<1x128xf32, #tpu.memory_space<vmem>>
      %get3A_1173 = tpu.memref_squeeze %get3A_1172 : memref<1x128xf32, #tpu.memory_space<vmem>> -> memref<128xf32, #tpu.memory_space<vmem>>
      %get3A_1174 = arith.index_cast %shift_left3A_1170 : i32 to index
      %get3A_1175 = tpu.vector_load %get3A_1173[%get3A_1174] {strides = array<i32>} : memref<128xf32, #tpu.memory_space<vmem>>, vector<16xf32>,
      %and3A_1176 = arith.constant 15 : i32
      %and3A_1177 = arith.andi %squeeze3A_1164, %and3A_1176 : i32
      %broadcast_in_dim3A_1178 = vector.broadcast %and3A_1177 : i32 to vector<16xi32>
      %lt3A_1179 = arith.constant 0 : i32
      %lt3A_1180 = vector.broadcast %lt3A_1179 : i32 to vector<16xi32>
      %lt3A_1181 = arith.cmpi slt, %broadcast_in_dim3A_1178, %lt3A_1180 : vector<16xi32>
      %add3A_1182 = arith.constant 16 : i32
      %add3A_1183 = vector.broadcast %add3A_1182 : i32 to vector<16xi32>
      %add3A_1184 = arith.addi %broadcast_in_dim3A_1178, %add3A_1183 : vector<16xi32>
      %select_n3A_1185 = arith.select %lt3A_1181, %add3A_1184, %broadcast_in_dim3A_1178 : vector<16xi1>, vector<16xi32>
      %broadcast_in_dim3A_1186 = vector.shape_cast %select_n3A_1185 : vector<16xi32> to vector<16x1xi32>
      %gather3A_1187 = vector.shape_cast %broadcast_in_dim3A_1186 : vector<16x1xi32> to vector<16xi32>
      %gather3A_1188 = tpu.dynamic_gather %get3A_1175[%gather3A_1187] in [0] : vector<16xf32>, vector<16xi32> -> vector<16xf32>
      %eq3A_1189 = arith.constant 12 : i32
      %eq3A_1190 = vector.broadcast %eq3A_1189 : i32 to vector<16xi32>
      %eq3A_1191 = arith.cmpi eq, %iota3A, %eq3A_1190 : vector<16xi32>
      %select_n3A_1192 = arith.select %eq3A_1191, %gather3A_1188, %select_n3A_1162 : vector<16xi1>, vector<16xf32>
      %slice3A_1193 = vector.extract_strided_slice %and3A_804 {offsets = [13], sizes = [1], strides = [1]} : vector<16xi32> to vector<1xi32>
      %squeeze3A_1194 = vector.extract %slice3A_1193[0] : i32 from vector<1xi32>
      %add3A_1195 = arith.constant 13 : i32
      %add3A_1196 = arith.addi %multiple_of3A, %add3A_1195 : i32
      %shift_right_arithmetic3A_1197 = arith.constant 4 : i32
      %shift_right_arithmetic3A_1198 = arith.shrsi %squeeze3A_1194, %shift_right_arithmetic3A_1197 : i32
      %shift_left3A_1199 = arith.constant 4 : i32
      %shift_left3A_1200 = arith.shli %shift_right_arithmetic3A_1198, %shift_left3A_1199 : i32
      %get3A_1201 = arith.constant 0 : i32
      %get3A_1202 = tpu.memref_slice %arg8[%add3A_1196, %get3A_1201] : memref<512x128xf32, #tpu.memory_space<vmem>> -> memref<1x128xf32, #tpu.memory_space<vmem>>
      %get3A_1203 = tpu.memref_squeeze %get3A_1202 : memref<1x128xf32, #tpu.memory_space<vmem>> -> memref<128xf32, #tpu.memory_space<vmem>>
      %get3A_1204 = arith.index_cast %shift_left3A_1200 : i32 to index
      %get3A_1205 = tpu.vector_load %get3A_1203[%get3A_1204] {strides = array<i32>} : memref<128xf32, #tpu.memory_space<vmem>>, vector<16xf32>,
      %and3A_1206 = arith.constant 15 : i32
      %and3A_1207 = arith.andi %squeeze3A_1194, %and3A_1206 : i32
      %broadcast_in_dim3A_1208 = vector.broadcast %and3A_1207 : i32 to vector<16xi32>
      %lt3A_1209 = arith.constant 0 : i32
      %lt3A_1210 = vector.broadcast %lt3A_1209 : i32 to vector<16xi32>
      %lt3A_1211 = arith.cmpi slt, %broadcast_in_dim3A_1208, %lt3A_1210 : vector<16xi32>
      %add3A_1212 = arith.constant 16 : i32
      %add3A_1213 = vector.broadcast %add3A_1212 : i32 to vector<16xi32>
      %add3A_1214 = arith.addi %broadcast_in_dim3A_1208, %add3A_1213 : vector<16xi32>
      %select_n3A_1215 = arith.select %lt3A_1211, %add3A_1214, %broadcast_in_dim3A_1208 : vector<16xi1>, vector<16xi32>
      %broadcast_in_dim3A_1216 = vector.shape_cast %select_n3A_1215 : vector<16xi32> to vector<16x1xi32>
      %gather3A_1217 = vector.shape_cast %broadcast_in_dim3A_1216 : vector<16x1xi32> to vector<16xi32>
      %gather3A_1218 = tpu.dynamic_gather %get3A_1205[%gather3A_1217] in [0] : vector<16xf32>, vector<16xi32> -> vector<16xf32>
      %eq3A_1219 = arith.constant 13 : i32
      %eq3A_1220 = vector.broadcast %eq3A_1219 : i32 to vector<16xi32>
      %eq3A_1221 = arith.cmpi eq, %iota3A, %eq3A_1220 : vector<16xi32>
      %select_n3A_1222 = arith.select %eq3A_1221, %gather3A_1218, %select_n3A_1192 : vector<16xi1>, vector<16xf32>
      %slice3A_1223 = vector.extract_strided_slice %and3A_804 {offsets = [14], sizes = [1], strides = [1]} : vector<16xi32> to vector<1xi32>
      %squeeze3A_1224 = vector.extract %slice3A_1223[0] : i32 from vector<1xi32>
      %add3A_1225 = arith.constant 14 : i32
      %add3A_1226 = arith.addi %multiple_of3A, %add3A_1225 : i32
      %shift_right_arithmetic3A_1227 = arith.constant 4 : i32
      %shift_right_arithmetic3A_1228 = arith.shrsi %squeeze3A_1224, %shift_right_arithmetic3A_1227 : i32
      %shift_left3A_1229 = arith.constant 4 : i32
      %shift_left3A_1230 = arith.shli %shift_right_arithmetic3A_1228, %shift_left3A_1229 : i32
      %get3A_1231 = arith.constant 0 : i32
      %get3A_1232 = tpu.memref_slice %arg8[%add3A_1226, %get3A_1231] : memref<512x128xf32, #tpu.memory_space<vmem>> -> memref<1x128xf32, #tpu.memory_space<vmem>>
      %get3A_1233 = tpu.memref_squeeze %get3A_1232 : memref<1x128xf32, #tpu.memory_space<vmem>> -> memref<128xf32, #tpu.memory_space<vmem>>
      %get3A_1234 = arith.index_cast %shift_left3A_1230 : i32 to index
      %get3A_1235 = tpu.vector_load %get3A_1233[%get3A_1234] {strides = array<i32>} : memref<128xf32, #tpu.memory_space<vmem>>, vector<16xf32>,
      %and3A_1236 = arith.constant 15 : i32
      %and3A_1237 = arith.andi %squeeze3A_1224, %and3A_1236 : i32
      %broadcast_in_dim3A_1238 = vector.broadcast %and3A_1237 : i32 to vector<16xi32>
      %lt3A_1239 = arith.constant 0 : i32
      %lt3A_1240 = vector.broadcast %lt3A_1239 : i32 to vector<16xi32>
      %lt3A_1241 = arith.cmpi slt, %broadcast_in_dim3A_1238, %lt3A_1240 : vector<16xi32>
      %add3A_1242 = arith.constant 16 : i32
      %add3A_1243 = vector.broadcast %add3A_1242 : i32 to vector<16xi32>
      %add3A_1244 = arith.addi %broadcast_in_dim3A_1238, %add3A_1243 : vector<16xi32>
      %select_n3A_1245 = arith.select %lt3A_1241, %add3A_1244, %broadcast_in_dim3A_1238 : vector<16xi1>, vector<16xi32>
      %broadcast_in_dim3A_1246 = vector.shape_cast %select_n3A_1245 : vector<16xi32> to vector<16x1xi32>
      %gather3A_1247 = vector.shape_cast %broadcast_in_dim3A_1246 : vector<16x1xi32> to vector<16xi32>
      %gather3A_1248 = tpu.dynamic_gather %get3A_1235[%gather3A_1247] in [0] : vector<16xf32>, vector<16xi32> -> vector<16xf32>
      %eq3A_1249 = arith.constant 14 : i32
      %eq3A_1250 = vector.broadcast %eq3A_1249 : i32 to vector<16xi32>
      %eq3A_1251 = arith.cmpi eq, %iota3A, %eq3A_1250 : vector<16xi32>
      %select_n3A_1252 = arith.select %eq3A_1251, %gather3A_1248, %select_n3A_1222 : vector<16xi1>, vector<16xf32>
      %slice3A_1253 = vector.extract_strided_slice %and3A_804 {offsets = [15], sizes = [1], strides = [1]} : vector<16xi32> to vector<1xi32>
      %squeeze3A_1254 = vector.extract %slice3A_1253[0] : i32 from vector<1xi32>
      %add3A_1255 = arith.constant 15 : i32
      %add3A_1256 = arith.addi %multiple_of3A, %add3A_1255 : i32
      %shift_right_arithmetic3A_1257 = arith.constant 4 : i32
      %shift_right_arithmetic3A_1258 = arith.shrsi %squeeze3A_1254, %shift_right_arithmetic3A_1257 : i32
      %shift_left3A_1259 = arith.constant 4 : i32
      %shift_left3A_1260 = arith.shli %shift_right_arithmetic3A_1258, %shift_left3A_1259 : i32
      %get3A_1261 = arith.constant 0 : i32
      %get3A_1262 = tpu.memref_slice %arg8[%add3A_1256, %get3A_1261] : memref<512x128xf32, #tpu.memory_space<vmem>> -> memref<1x128xf32, #tpu.memory_space<vmem>>
      %get3A_1263 = tpu.memref_squeeze %get3A_1262 : memref<1x128xf32, #tpu.memory_space<vmem>> -> memref<128xf32, #tpu.memory_space<vmem>>
      %get3A_1264 = arith.index_cast %shift_left3A_1260 : i32 to index
      %get3A_1265 = tpu.vector_load %get3A_1263[%get3A_1264] {strides = array<i32>} : memref<128xf32, #tpu.memory_space<vmem>>, vector<16xf32>,
      %and3A_1266 = arith.constant 15 : i32
      %and3A_1267 = arith.andi %squeeze3A_1254, %and3A_1266 : i32
      %broadcast_in_dim3A_1268 = vector.broadcast %and3A_1267 : i32 to vector<16xi32>
      %lt3A_1269 = arith.constant 0 : i32
      %lt3A_1270 = vector.broadcast %lt3A_1269 : i32 to vector<16xi32>
      %lt3A_1271 = arith.cmpi slt, %broadcast_in_dim3A_1268, %lt3A_1270 : vector<16xi32>
      %add3A_1272 = arith.constant 16 : i32
      %add3A_1273 = vector.broadcast %add3A_1272 : i32 to vector<16xi32>
      %add3A_1274 = arith.addi %broadcast_in_dim3A_1268, %add3A_1273 : vector<16xi32>
      %select_n3A_1275 = arith.select %lt3A_1271, %add3A_1274, %broadcast_in_dim3A_1268 : vector<16xi1>, vector<16xi32>
      %broadcast_in_dim3A_1276 = vector.shape_cast %select_n3A_1275 : vector<16xi32> to vector<16x1xi32>
      %gather3A_1277 = vector.shape_cast %broadcast_in_dim3A_1276 : vector<16x1xi32> to vector<16xi32>
      %gather3A_1278 = tpu.dynamic_gather %get3A_1265[%gather3A_1277] in [0] : vector<16xf32>, vector<16xi32> -> vector<16xf32>
      %eq3A_1279 = arith.constant 15 : i32
      %eq3A_1280 = vector.broadcast %eq3A_1279 : i32 to vector<16xi32>
      %eq3A_1281 = arith.cmpi eq, %iota3A, %eq3A_1280 : vector<16xi32>
      %select_n3A_1282 = arith.select %eq3A_1281, %gather3A_1278, %select_n3A_1252 : vector<16xi1>, vector<16xf32>
      %swap3A_1283 = arith.index_cast %multiple_of3A : i32 to index
      %swap3A_1284 = tpu.vector_load %arg9[%swap3A_1283] {strides = array<i32>} : memref<512xf32, #tpu.memory_space<vmem>>, vector<16xf32>,
      tpu.vector_store %arg9[%swap3A_1283], %select_n3A_1282 {strides = array<i32>} : memref<512xf32, #tpu.memory_space<vmem>>, vector<16xf32>,
    }
    %scan3A_761 = arith.constant 32 : i32
    "tpu.region"() ({
      %run_scoped3A = tpu.sem_alloc : memref<!tpu.dma_semaphore, #tpu.memory_space<semaphore_mem>>
      %dma_start3A_762 = tpu.memref_slice %arg4[%mul3A_2] : memref<16384xf32, #tpu.memory_space<hbm>> -> memref<512xf32, #tpu.memory_space<hbm>>
      %dma_start3A_763 = tpu.memref_slice %arg4[%mul3A_2] : memref<16384xf32, #tpu.memory_space<hbm>> -> memref<512xf32, #tpu.memory_space<hbm>>
      tpu.enqueue_dma source(%arg9 : memref<512xf32, #tpu.memory_space<vmem>>) target(%dma_start3A_763 : memref<512xf32, #tpu.memory_space<hbm>>) target_semaphore(%run_scoped3A : memref<!tpu.dma_semaphore, #tpu.memory_space<semaphore_mem>>)
      %dma_wait3A_764 = tpu.memref_slice %arg4[%mul3A_2] : memref<16384xf32, #tpu.memory_space<hbm>> -> memref<512xf32, #tpu.memory_space<hbm>>
      %dma_wait3A_765 = tpu.memref_slice %arg4[%mul3A_2] : memref<16384xf32, #tpu.memory_space<hbm>> -> memref<512xf32, #tpu.memory_space<hbm>>
      tpu.wait_dma2 semaphore(%run_scoped3A : memref<!tpu.dma_semaphore, #tpu.memory_space<semaphore_mem>>) src(%arg9 : memref<512xf32, #tpu.memory_space<vmem>>) dst(%dma_wait3A_765 : memref<512xf32, #tpu.memory_space<hbm>>)
      tpu.yield
    }) : () -> ()
    return
  }
}

module attributes {stable_mosaic.version = 14 : i64} {
  func.func @_mm_body(%arg0: i32, %arg1: memref<16x64xf32, #tpu.memory_space<vmem>>, %arg2: memref<64x32768xf32, #tpu.memory_space<vmem>>, %arg3: memref<4096x128xf32, #tpu.memory_space<vmem>>) attributes {dimension_semantics = [#tpu.dimension_semantics<arbitrary>], iteration_bounds = array<i64: 31>, scalar_prefetch = 0 : i64, scratch_operands = 0 : i64, tpu.core_type = #tpu.core_type<tc>, window_params = [{pipeline_mode = #tpu.pipeline_mode<synchronous>, transform_indices = @transform_0, window_bounds = array<i64: 16, 64>}, {transform_indices = @transform_1, window_bounds = array<i64: 64, 32768>}, {transform_indices = @transform_2, window_bounds = array<i64: 4096, 128>}]} {
    %get3A = arith.constant 0 : index
    %get3A_0 = arith.constant 0 : index
    %get3A_1 = vector.load %arg1[%get3A, %get3A_0] : memref<16x64xf32, #tpu.memory_space<vmem>>, vector<16x64xf32>
    %get3A_2 = arith.constant 0 : index
    %get3A_3 = arith.constant 0 : index
    %get3A_4 = vector.load %arg2[%get3A_2, %get3A_3] : memref<64x32768xf32, #tpu.memory_space<vmem>>, vector<64x32768xf32>
    %dot_general3A = arith.constant dense<0.000000e+00> : vector<16x32768xf32>
    %dot_general3A_5 = tpu.matmul %get3A_1, %get3A_4, %dot_general3A {dimension_numbers = #tpu.dot_dimension_numbers<[1], [0], [0], [1], [0, 0, 1, 1], [], []>, transpose_lhs_hint = false} : vector<16x64xf32>, vector<64x32768xf32>, vector<16x32768xf32> -> vector<16x32768xf32>
    %reshape3A = vector.shape_cast %dot_general3A_5 : vector<16x32768xf32> to vector<16x256x128xf32>
    %transpose3A = tpu.transpose %reshape3A, [1, 0, 2] : vector<16x256x128xf32> -> vector<256x16x128xf32>
    %reshape3A_6 = vector.shape_cast %transpose3A : vector<256x16x128xf32> to vector<4096x128xf32>
    %swap3A = arith.constant 0 : index
    %swap3A_7 = arith.constant 0 : index
    %swap3A_8 = vector.load %arg3[%swap3A, %swap3A_7] : memref<4096x128xf32, #tpu.memory_space<vmem>>, vector<4096x128xf32>
    tpu.vector_store %arg3[%swap3A, %swap3A_7], %reshape3A_6 {strides = array<i32>} : memref<4096x128xf32, #tpu.memory_space<vmem>>, vector<4096x128xf32>,
    return
  }
  func.func @transform_0(%arg0: i32) -> (i32, i32) {
    %c0_i32 = arith.constant 0 : i32
    %c0_i32_0 = arith.constant 0 : i32
    %c0_i32_1 = arith.constant 0 : i32
    return %c0_i32, %c0_i32_0 : i32, i32
  }
  func.func @transform_1(%arg0: i32) -> (i32, i32) {
    %c0_i32 = arith.constant 0 : i32
    %c0_i32_0 = arith.constant 0 : i32
    return %c0_i32, %arg0 : i32, i32
  }
  func.func @transform_2(%arg0: i32) -> (i32, i32) {
    %c0_i32 = arith.constant 0 : i32
    %c0_i32_0 = arith.constant 0 : i32
    return %arg0, %c0_i32 : i32, i32
  }
}

</mosaic_0001>

<sc_bundles>
// kernel: kernel.4.cloned.1.call-start
scs
__scs_entry_jumppad:
0x0: {  	(pc) =	sbr.rel $0x88, $3  }
0x1: {  	(tag) =	ssettag $0x0;
	lr =	simm.s32 $0x1  }
0x2: {  	[smem:$0x3F9E] =	sst lr;
	_ =	strace $0xD0000000  }
0x3: {  	_ = 	snop  }
0x4: {  	_ = 	snop  }
0x5: {  	_ = 	snop  }
0x6: {  	_ = 	snop  }
0x7: {  	_ = 	snop  }
__scs_overlays_trampoline_lowered:
0x8: {  	[smem:$0x3FAD] =	sst s0  }
0x9: {  	[smem:$0x3FAE] =	sst s1  }
0xa: {  	[smem:$0x3FAF] =	sst s2  }
0xb: {  	[smem:$0x3FB0] =	sst s3  }
0xc: {  	[smem:$0x3FB1] =	sst s4  }
0xd: {  	[smem:$0x3FB2] =	sst s5  }
0xe: {  	[smem:$0x3FB3] =	sst s6  }
0xf: {  	[smem:$0x3FB4] =	sst s7  }
0x10: {  	[smem:$0x3FB5] =	sst s8  }
0x11: {  	[smem:$0x3FB6] =	sst s9;
	s0 =	simm.s32 @!p0 $0x0  }
0x12: {  	s1 =	sld [smem:$0x3F9C];
	s0 =	simm.s32 @p0 $0x1  }
0x13: {  	[smem:$0x3FB7] =	sst s0;
	s0 =	simm.s32 @!p1 $0x0  }
0x14: {  	s2 =	sld [smem:$0x3F9B];
	s0 =	simm.s32 @p1 $0x1  }
0x15: {  	[smem:$0x3FB8] =	sst s0;
	s0 =	simm.s32 @!p2 $0x0  }
0x16: {  	s3 =	sld [smem:$0x3FDB];
	s0 =	simm.s32 @p2 $0x1  }
0x17: {  	s4 =	simm.s32 $0x1BF5;
	[smem:$0x3FBA] =	sst s0  }
0x18: {  	s0 =	sld [smem:$0x3F9D];
	_ =	swait.ge [sflag:s4], $0x0  }
0x19: {  	s7 =	sld [smem:$0x3F9E]  }
0x1a: {  	s8 =	sadd.s32 $0xFFFFE003, lr  }
0x1b: {  	s9 =	sadd.s32 $0xFFFFFEF7, lr;
	s5 =	simm.s32 $0xFFFFFFFF;
	p2 =	slt.u32 s8, $0xFFFFF086  }
0x1c: {  	p1 =	slt.u32 s9, $0xF7A;
	s5 =	simm.s32 @!p2 $0x0  }
0x1d: {  	s5 =	simm.s32 @p1 $0x1;
	p0 =	seq.s32 s7, s2  }
0x1e: {  	s7 =	smul.u32 @!p0 $0xF7A, s2;
	p2 =	seq.s32 @!p0 s5, $0x0  }
0x1f: {  	s9 =	smul.u32 $0xF7A, s1;
	s8 =	simm.s32 @!p0 $0x1BF5;
	p2 =	por !p2, p0  }
0x20: {  	[sflag:s8] =	ssyncset.s32 @!p0 $0xFFFFF086;
	s6 =	sadd.s32 @!p0 s3, s7;
	s7 =	simm.s32 @!p0 $0x108  }
0x21: {  	s3 =	sadd.s32 s3, s9;
	s6 =	sadd.s32 @!p0 $0x88, s6;
	s7 =	simm.s32 @p2 $0x1082  }
0x22: {  	[simem:s7], [sflag:s8] =	dma.local @!p0 [hbm:s6], $0xF7A  }
0x23: {  	s9 =	sor.u32 $0xD0000000, s2;
	s6 =	simm.s32 $0x108;
	_ =	swait.ge @!p0 [sflag:s8], $0x0  }
0x24: {  	s3 =	sadd.s32 $0x88, s3;
	s6 =	simm.s32 @!p1 $0x1082;
	[sflag:s4] =	ssyncset.s32 $0xFFFFF086  }
0x25: {  	[simem:s6], [sflag:s4] =	dma.local [hbm:s3], $0xF7A  }
0x26: {  	[smem:$0x3F9E] =	sst s1;
	(tag) =	ssettag s2;
	_ =	strace s9  }
0x27: {  	s1 =	sld [smem:$0x3FAE]  }
0x28: {  	s2 =	sld [smem:$0x3FAF]  }
0x29: {  	s4 =	sld [smem:$0x3FB1]  }
0x2a: {  	p0 =	seq.s32 s5, $0x0;
	s5 =	sld [smem:$0x3FB2]  }
0x2b: {  	s6 =	sld [smem:$0x3FB3]  }
0x2c: {  	s7 =	sld [smem:$0x3FB4]  }
0x2d: {  	s3 =	simm.s32 $0x108;
	s8 =	sld [smem:$0x3FB5]  }
0x2e: {  	s3 =	simm.s32 @!p0 $0x1082;
	s9 =	sld [smem:$0x3FB6]  }
0x2f: {  	lr =	sadd.s32 s0, s3;
	s0 =	sld [smem:$0x3FAD]  }
0x30: {  	s3 =	sld [smem:$0x3FB0]  }
0x31: {  	[smem:$0x3FB9] =	sst s10  }
0x32: {  	s10 =	sld [smem:$0x3FB7];
	_ =	sdelay $0x3  }
0x33: {  	p0 =	seq.s32 s10, $0x1;
	s10 =	sld [smem:$0x3FB9];
	_ =	sdelay $0x3  }
0x34: {  	[smem:$0x3FB9] =	sst s10  }
0x35: {  	s10 =	sld [smem:$0x3FB8];
	_ =	sdelay $0x3  }
0x36: {  	p1 =	seq.s32 s10, $0x1;
	s10 =	sld [smem:$0x3FB9];
	_ =	sdelay $0x3  }
0x37: {  	[smem:$0x3FB9] =	sst s10  }
0x38: {  	s10 =	sld [smem:$0x3FBA]  }
0x39: {  	_ = 	snop;
	(pc) =	sbr.ind lr, $3  }
0x3a: {  	_ = 	snop  }
0x3b: {  	_ = 	snop  }
0x3c: {  	p2 =	seq.s32 s10, $0x1;
	s10 =	sld [smem:$0x3FB9]  }
0x3d: {  	_ =	shalt  }
0x3e: {  	_ =	shalt  }
0x3f: {  	_ =	shalt  }
0x40: {  	_ =	shalt  }
0x41: {  	_ =	shalt  }
0x42: {  	_ =	shalt  }
0x43: {  	_ =	shalt  }
0x44: {  	_ =	shalt  }
0x45: {  	_ =	shalt  }
0x46: {  	_ =	shalt  }
0x47: {  	_ =	shalt  }
0x48: {  	_ =	shalt  }
0x49: {  	_ =	shalt  }
0x4a: {  	_ =	shalt  }
0x4b: {  	_ =	shalt  }
0x4c: {  	_ =	shalt  }
0x4d: {  	_ =	shalt  }
0x4e: {  	_ =	shalt  }
0x4f: {  	_ =	shalt  }
0x50: {  	_ =	shalt  }
0x51: {  	_ =	shalt  }
0x52: {  	_ =	shalt  }
0x53: {  	_ =	shalt  }
0x54: {  	_ =	shalt  }
0x55: {  	_ =	shalt  }
0x56: {  	_ =	shalt  }
0x57: {  	_ =	shalt  }
0x58: {  	_ =	shalt  }
0x59: {  	_ =	shalt  }
0x5a: {  	_ =	shalt  }
0x5b: {  	_ =	shalt  }
0x5c: {  	_ =	shalt  }
0x5d: {  	_ =	shalt  }
0x5e: {  	_ =	shalt  }
0x5f: {  	_ =	shalt  }
0x60: {  	_ =	shalt  }
0x61: {  	_ =	shalt  }
0x62: {  	_ =	shalt  }
0x63: {  	_ =	shalt  }
0x64: {  	_ =	shalt  }
0x65: {  	_ =	shalt  }
0x66: {  	_ =	shalt  }
0x67: {  	_ =	shalt  }
0x68: {  	_ =	shalt  }
0x69: {  	_ =	shalt  }
0x6a: {  	_ =	shalt  }
0x6b: {  	_ =	shalt  }
0x6c: {  	_ =	shalt  }
0x6d: {  	_ =	shalt  }
0x6e: {  	_ =	shalt  }
0x6f: {  	_ =	shalt  }
0x70: {  	_ =	shalt  }
0x71: {  	_ =	shalt  }
0x72: {  	_ =	shalt  }
0x73: {  	_ =	shalt  }
0x74: {  	_ =	shalt  }
0x75: {  	_ =	shalt  }
0x76: {  	_ =	shalt  }
0x77: {  	_ =	shalt  }
0x78: {  	_ =	shalt  }
0x79: {  	_ =	shalt  }
0x7a: {  	_ =	shalt  }
0x7b: {  	_ =	shalt  }
0x7c: {  	_ =	shalt  }
0x7d: {  	_ =	shalt  }
0x7e: {  	_ =	shalt  }
0x7f: {  	_ =	shalt  }
0x80: {  	_ =	shalt  }
0x81: {  	_ =	shalt  }
0x82: {  	_ =	shalt  }
0x83: {  	_ =	shalt  }
0x84: {  	_ =	shalt  }
0x85: {  	_ =	shalt  }
0x86: {  	_ =	shalt  }
0x87: {  	_ =	shalt  }
.Lfunc_end0:
.L_simem_size_0:
called_computation_lowered:
.L_overlay_start_0:
0x88: {  	s2 =	sld [smem:$0x3FD9]  }
0x89: {  	s3 =	sld [smem:$0x3FFE];
	_ =	sdelay $0x1  }
0x8a: {  	s1 =	srdreg.scid  }
0x8b: {  	s0 =	sand.u32 $0x1, s1  }
0x8c: {  	s17 =	sshll.u32 s0, $0xA;
	s2 =	sadd.s32 s3, s2  }
0x8d: {  	s2 =	sadd.s32 s2, s17  }
0x8e: {  	[smem:$0x3FC5] =	sst s2  }
0x8f: {  	_ = 	snop  }
0x90: {  	s2 =	sld [smem:$0x3FC9]  }
0x91: {  	s18 =	sld [smem:$0x3FD0];
	(tm) =	ssettm $0x1  }
0x92: {  	s4 =	sld [smem:$0x3FFB];
	_ =	sdelay $0x3  }
0x93: {  	_ =	strace s4  }
0x94: {  	s4 =	sld [smem:$0x3FFC];
	_ =	sdelay $0x3  }
0x95: {  	_ =	strace s4  }
0x96: {  	s4 =	sld [smem:$0x3FFD];
	_ =	sdelay $0x3  }
0x97: {  	_ =	strace s4  }
0x98: {  	_ =	strace $0x8FFFFFFF  }
0x99: {  	s19 =	sld [smem:$0x3FDB];
	_ =	sdelay $0x1  }
0x9a: {  	s5 =	simm.s32 $_scs_section_size  }
0x9b: {  	s6 =	simm.s32 $_size__tile_overlayer_lowered;
	s7 =	simm.s32 $_tile_overlayer_lowered  }
0x9c: {  	s22 =	simm.s32 $0x1BFF;
	s21 =	sshll.u32 s7, $0x1;
	s4 =	sadd.s32 s5, s19  }
0x9d: {  	s8 =	simm.s32 $0x0;
	s20 =	sshll.u32 s6, $0x1;
	s6 =	sadd.s32 s21, s4  }
0x9e: {  	[timem:s8], [sflag:s22] =	dma.local [hbm:s6], s20  }
0x9f: {  	_ =	swait.ge [sflag:s22], s20  }
0xa0: {  	s5 =	ssub.s32 $0x0, s20;
	[sflag:s22] =	ssyncset.done $0x0  }
0xa1: {  	[sflag:s22] =	ssyncadd.s32 s5;
	_ =	sdelay $0x1  }
0xa2: {  	s23 =	simm.s32 $0x1B8B  }
0xa3: {  	_ =	swait.ge [sflag:s23], $0x1  }
0xa4: {  	[sflag:s23] =	ssyncset.done $0x0  }
0xa5: {  	s25 =	simm.s32 $0x1B8E;
	s24 =	sld [smem:$0x3FFE];
	[sflag:s23] =	ssyncadd.s32 $0xFFFFFFFF  }
0xa6: {  	s26 =	simm.s32 $execute0_lowered;
	[smem:$0x3FD2] =	sst s25  }
0xa7: {  	s6 =	sshll.u32 s26, $0x1;
	_ =	strace $0x80000046;
	[dreg:$0x1] =	wrdreg $0xFFFFFFFF  }
0xa8: {  	s28 =	simm.s32 $_size_execute0_lowered;
	s4 =	sadd.s32 s4, s6;
	[dreg:$0x0] =	wrdreg $0x0  }
0xa9: {  	s6 =	sshll.u32 s28, $0x1;
	[dreg:$0x2] =	wrdreg s4  }
0xaa: {  	[dreg:$0x3] =	wrdreg s6  }
0xab: {  	[dreg:$0x4] =	wrdreg $0xC0  }
0xac: {  	_ =	task [dreg:s8], $0x5FFFF  }
0xad: {  	[dreg:$0x1] =	wrdreg $0xFFFFFFFF  }
0xae: {  	[dreg:$0x0] =	wrdreg $0x60  }
0xaf: {  	[dreg:$0x2] =	wrdreg s2  }
0xb0: {  	[dreg:$0x3] =	wrdreg s24  }
0xb1: {  	[dreg:$0x4] =	wrdreg s18  }
0xb2: {  	[dreg:$0x5] =	wrdreg $0x9  }
0xb3: {  	_ =	task.clear_ibuf [dreg:s8], $0x6FFFF;
	_ =	strace $0x90000046  }
0xb4: {  	s29 =	simm.s32 $0x9;
	_ =	strace $0x80000048  }
0xb5: {  	_ =	swait.ge [sflag:s29], $0x1  }
0xb6: {  	[sflag:s29] =	ssyncadd.s32 $0xFFFFFFFF  }
0xb7: {  	_ =	strace $0x90000048  }
0xb8: {  	_ =	sfence  }
0xb9: {  	s30 =	sld [smem:$0x0];
	_ =	sdelay $0x2  }
0xba: {  	s31 =	sshll.u32 s1, $0xD;
	s1 =	sshrl.u32 s1, $0x2  }
0xbb: {  	s3 =	sand.u32 $0x4000, s31;
	s1 =	sadd.s32 s1, s30  }
0xbc: {  	s0 =	sor.u32 s3, s0;
	s1 =	sshll.u32 s1, $0x11  }
0xbd: {  	s0 =	sor.u32 s1, s0  }
0xbe: {  	s0 =	sadd.s32 $0x8F2B, s0  }
0xbf: {  	[sflag:s0] =	ssyncadd.remote.s32 $0x1  }
0xc0: {  	_ =	sfence.sel $0xFFFF  }
0xc1: {  	[dreg:$0x0] =	wrdreg $0xFFFFFFFF;
	(pc) =	sbr.abs _section_cstart, $3  }
0xc2: {  	[dreg:$0x1] =	wrdreg $0xFFFFFFFF  }
0xc3: {  	_ =	task.clear_ibuf [dreg:s8], $0x2FFFF;
	_ =	strace $0x9FFFFFFF  }
0xc4: {  	(tm) =	ssettm $0x7FFFFFFF  }
0xc5: {  	_ =	shalt  }
tec
execute0_lowered:
.L_overlay_start_1:
0x0: {  	(tag) =	ssettag $0x1  }
0x1: {  	s0 =	rddreg [dreg:$0x0]  }
0x2: {  	s1 =	rddreg [dreg:$0x1]  }
0x3: {  	s9 =	rddreg [dreg:$0x2]  }
0x4: {  	s2 =	srdreg.scid;
	s4 =	stileid.u32;
	s11 =	simm.s32 $0x2  }
0x5: {  	s12 =	simm.s32 $0x80;
	s13 =	simm.s32 $0x100;
	s16 =	simm.s32 $0x200  }
0x6: {  	s17 =	simm.s32 $0x600;
	s18 =	simm.s32 $0x280;
	s19 =	simm.s32 $0x4600  }
0x7: {  	s20 =	simm.s32 $0x300;
	s21 =	simm.s32 $0x8600;
	s22 =	simm.s32 $0x380  }
0x8: {  	s23 =	simm.s32 $0xC600;
	s24 =	simm.s32 $0x1;
	s25 =	simm.s32 $0x10600  }
0x9: {  	s26 =	simm.s32 $0x0;
	s3 =	sand.u32 $0x1, s2;
	s2 =	simm.s32 $0x0  }
0xa: {  	s4 =	sshll.u32 s4, $0xA;
	s5 =	sshll.u32 s3, $0x9;
	[smem:$0x7FF] =	sst s2  }
0xb: {  	vm0 =	vmmov $0x1;
	vm1 =	vmmov $0x3;
	vm2 =	vmmov $0x7;
	s28 =	ssub.s32 $0x2, s3;
	s3 =	sadd.s32 $0x600, s1;
	s10 =	sor.u32 s5, s4  }
0xc: {  	vm3 =	vmmov $0xf;
	vm4 =	vmmov $0x1f;
	vm5 =	vmmov $0x3f;
	_ =	strace $0x80000047;
	s29 =	sshrl.u32 s28, $0x1;
	s4 =	sshrl.u32 s10, $0x2  }
0xd: {  	vm6 =	vmmov $0x7f;
	vm7 =	vmmov $0xff;
	vm8 =	vmmov $0x1ff;
	s30 =	ssub.s32 s28, s29;
	s31 =	sshrl.u32 s10, $0x3;
	s4 =	sadd.s32 s0, s4  }
0xe: {  	vm9 =	vmmov $0x3ff;
	vm10 =	vmmov $0x7ff;
	vm11 =	vmmov $0xfff;
	s9 =	sadd.s32 s9, s31;
	s10 =	smax.u32 s30, $0x1;
	s5 =	sadd.s32 $0x20, s4  }
0xf: {  	vm12 =	vmmov $0x1fff;
	vm13 =	vmmov $0x3fff;
	vm14 =	vmmov $0x7fff;
	s6 =	sadd.s32 $0x40, s4;
	s7 =	sadd.s32 $0x60, s4;
	s8 =	sadd.s32 $0x10, s4  }
.LBB2_1:
0x10: {  	[tilespmem:s2], [sflag:$0x2] =	stream.linear.gather [hbm4b:s4+s2], $0x80, $0x38;
	[tilespmem:$0x10800] =	vst v63  }
0x11: {  	_ =	swait.ge [sflag:s11], $0x80  }
0x12: {  	[sflag:s11] =	ssyncset.done $0x0  }
0x13: {  	[sflag:s11] =	ssyncadd.s32 $0xFFFFFF80  }
0x14: {  	[tilespmem:s12], [sflag:$0x2] =	stream.linear.gather [hbm4b:s5+s2], $0x80, $0x38;
	[tilespmem:$0x10800] =	vst v63  }
0x15: {  	_ =	swait.ge [sflag:s11], $0x80  }
0x16: {  	[sflag:s11] =	ssyncset.done $0x0  }
0x17: {  	[sflag:s11] =	ssyncadd.s32 $0xFFFFFF80  }
0x18: {  	[tilespmem:s13], [sflag:$0x2] =	stream.linear.gather [hbm4b:s6+s2], $0x80, $0x38;
	[tilespmem:$0x10800] =	vst v63  }
0x19: {  	_ =	swait.ge [sflag:s11], $0x80  }
0x1a: {  	[sflag:s11] =	ssyncset.done $0x0  }
0x1b: {  	s0 =	simm.s32 $0x180;
	[sflag:s11] =	ssyncadd.s32 $0xFFFFFF80  }
0x1c: {  	[tilespmem:s0], [sflag:$0x2] =	stream.linear.gather [hbm4b:s7+s2], $0x80, $0x38;
	[tilespmem:$0x10800] =	vst v63  }
0x1d: {  	_ =	swait.ge [sflag:s11], $0x80  }
0x1e: {  	[sflag:s11] =	ssyncset.done $0x0  }
0x1f: {  	s14 =	simm.s32 $0x400;
	[sflag:s11] =	ssyncadd.s32 $0xFFFFFF80  }
0x20: {  	[tilespmem:s14], [sflag:$0x2] =	stream.strided.gather [hbm4b:s8+s12], $0x200, s13, s12, $0x38;
	[tilespmem:$0x10800] =	vst v63  }
0x21: {  	_ =	swait.ge [sflag:s11], $0x200  }
0x22: {  	[sflag:s11] =	ssyncset.done $0x0  }
0x23: {  	[sflag:s11] =	ssyncadd.s32 $0xFFFFFE00  }
0x24: {  	v0 =	vld [tilespmem:$0x0]  }
0x25: {  	v1 =	vld [tilespmem:$0x400]  }
0x26: {  	v2 =	vld [tilespmem:$0x10]  }
0x27: {  	v3 =	vld [tilespmem:$0x410]  }
0x28: {  	v4 =	vld [tilespmem:$0x20]  }
0x29: {  	v5 =	vld [tilespmem:$0x420]  }
0x2a: {  	v6 =	vld [tilespmem:$0x30]  }
0x2b: {  	v7 =	vld [tilespmem:$0x430]  }
0x2c: {  	v8 =	vld [tilespmem:$0x40]  }
0x2d: {  	v9 =	vld [tilespmem:$0x440]  }
0x2e: {  	v10 =	vld [tilespmem:$0x50]  }
0x2f: {  	v11 =	vld [tilespmem:$0x450]  }
0x30: {  	v12 =	vld [tilespmem:$0x60]  }
0x31: {  	v13 =	vld [tilespmem:$0x460]  }
0x32: {  	v14 =	vld [tilespmem:$0x70]  }
0x33: {  	v15 =	vld [tilespmem:$0x470]  }
0x34: {  	v16 =	vld [tilespmem:$0x80]  }
0x35: {  	v17 =	vld [tilespmem:$0x480]  }
0x36: {  	v18 =	vld [tilespmem:$0x90]  }
0x37: {  	v19 =	vld [tilespmem:$0x490]  }
0x38: {  	v20 =	vld [tilespmem:$0xA0]  }
0x39: {  	v21 =	vld [tilespmem:$0x4A0]  }
0x3a: {  	v22 =	vld [tilespmem:$0xB0]  }
0x3b: {  	v23 =	vld [tilespmem:$0x4B0]  }
0x3c: {  	v24 =	vld [tilespmem:$0xC0]  }
0x3d: {  	v25 =	vld [tilespmem:$0x4C0]  }
0x3e: {  	v26 =	vld [tilespmem:$0xD0]  }
0x3f: {  	v27 =	vld [tilespmem:$0x4D0]  }
0x40: {  	v28 =	vld [tilespmem:$0xE0]  }
0x41: {  	v29 =	vld [tilespmem:$0x4E0]  }
0x42: {  	v30 =	vld [tilespmem:$0xF0]  }
0x43: {  	v31 =	vld [tilespmem:$0x4F0]  }
0x44: {  	v32 =	vld [tilespmem:$0x100]  }
0x45: {  	v33 =	vld [tilespmem:$0x500]  }
0x46: {  	v34 =	vld [tilespmem:$0x110]  }
0x47: {  	v35 =	vld [tilespmem:$0x510];
	v0 =	vshra.s32 v0, $0x3  }
0x48: {  	v36 =	vld [tilespmem:$0x120];
	v2 =	vshra.s32 v2, $0x3;
	v0 =	vand.u32 $0xFFFFFFF0, v0  }
0x49: {  	v55 =	vld [tilespmem:$0x520];
	v0 =	vadd.s32 v1, v0;
	v1 =	vand.u32 $0xFFFFFFF0, v2;
	v2 =	vshra.s32 v4, $0x3  }
0x4a: {  	v56 =	vld [tilespmem:$0x530];
	[tilespmem:$0x200] =	vst v0;
	v0 =	vadd.s32 v3, v1;
	v1 =	vand.u32 $0xFFFFFFF0, v2;
	v2 =	vshra.s32 v6, $0x3  }
0x4b: {  	v57 =	vld [tilespmem:$0x140];
	[tilespmem:$0x210] =	vst v0;
	v0 =	vadd.s32 v5, v1;
	v1 =	vand.u32 $0xFFFFFFF0, v2;
	v2 =	vshra.s32 v8, $0x3  }
0x4c: {  	v58 =	vld [tilespmem:$0x540];
	[tilespmem:$0x220] =	vst v0;
	v0 =	vadd.s32 v7, v1;
	v1 =	vand.u32 $0xFFFFFFF0, v2;
	v2 =	vshra.s32 v10, $0x3  }
0x4d: {  	v59 =	vld [tilespmem:$0x150];
	[tilespmem:$0x230] =	vst v0;
	v0 =	vadd.s32 v9, v1;
	v1 =	vand.u32 $0xFFFFFFF0, v2;
	v2 =	vshra.s32 v12, $0x3  }
0x4e: {  	v60 =	vld [tilespmem:$0x550];
	[tilespmem:$0x240] =	vst v0;
	v0 =	vadd.s32 v11, v1;
	v1 =	vand.u32 $0xFFFFFFF0, v2;
	v2 =	vshra.s32 v14, $0x3  }
0x4f: {  	v61 =	vld [tilespmem:$0x160];
	[tilespmem:$0x250] =	vst v0;
	v0 =	vadd.s32 v13, v1;
	v1 =	vand.u32 $0xFFFFFFF0, v2;
	v2 =	vshra.s32 v16, $0x3  }
0x50: {  	v62 =	vld [tilespmem:$0x560];
	[tilespmem:$0x260] =	vst v0;
	v0 =	vadd.s32 v15, v1;
	v1 =	vand.u32 $0xFFFFFFF0, v2;
	v2 =	vshra.s32 v18, $0x3  }
0x51: {  	v63 =	vld [tilespmem:$0x170];
	[tilespmem:$0x270] =	vst v0;
	v0 =	vadd.s32 v17, v1;
	v1 =	vand.u32 $0xFFFFFFF0, v2;
	v2 =	vshra.s32 v20, $0x3  }
0x52: {  	v3 =	vld [tilespmem:$0x130];
	[tilespmem:$0x280] =	vst v0;
	v0 =	vadd.s32 v19, v1;
	v1 =	vand.u32 $0xFFFFFFF0, v2;
	v2 =	vshra.s32 v22, $0x3  }
0x53: {  	v22 =	vld [tilespmem:$0x180];
	[tilespmem:$0x290] =	vst v0;
	v0 =	vadd.s32 v21, v1;
	v1 =	vand.u32 $0xFFFFFFF0, v2;
	v2 =	vshra.s32 v24, $0x3  }
0x54: {  	v21 =	vld [tilespmem:$0x570];
	[tilespmem:$0x2A0] =	vst v0;
	v0 =	vadd.s32 v23, v1;
	v1 =	vand.u32 $0xFFFFFFF0, v2;
	v2 =	vshra.s32 v26, $0x3  }
0x55: {  	v24 =	vld [tilespmem:$0x190];
	[tilespmem:$0x2B0] =	vst v0;
	v0 =	vadd.s32 v25, v1;
	v1 =	vand.u32 $0xFFFFFFF0, v2;
	v2 =	vshra.s32 v28, $0x3  }
0x56: {  	v23 =	vld [tilespmem:$0x580];
	[tilespmem:$0x2C0] =	vst v0;
	v0 =	vadd.s32 v27, v1;
	v1 =	vand.u32 $0xFFFFFFF0, v2;
	v2 =	vshra.s32 v30, $0x3  }
0x57: {  	v26 =	vld [tilespmem:$0x1A0];
	[tilespmem:$0x2D0] =	vst v0;
	v0 =	vadd.s32 v29, v1;
	v1 =	vand.u32 $0xFFFFFFF0, v2;
	v2 =	vshra.s32 v32, $0x3  }
0x58: {  	v25 =	vld [tilespmem:$0x590];
	[tilespmem:$0x2E0] =	vst v0;
	v0 =	vadd.s32 v31, v1;
	v1 =	vand.u32 $0xFFFFFFF0, v2;
	v2 =	vshra.s32 v34, $0x3  }
0x59: {  	v28 =	vld [tilespmem:$0x5B0];
	[tilespmem:$0x2F0] =	vst v0;
	v0 =	vadd.s32 v33, v1;
	v1 =	vand.u32 $0xFFFFFFF0, v2;
	v2 =	vshra.s32 v36, $0x3  }
0x5a: {  	v27 =	vld [tilespmem:$0x5A0];
	[tilespmem:$0x300] =	vst v0;
	v0 =	vadd.s32 v35, v1;
	v1 =	vand.u32 $0xFFFFFFF0, v2;
	v2 =	vshra.s32 v3, $0x3  }
0x5b: {  	v30 =	vld [tilespmem:$0x5C0];
	[tilespmem:$0x310] =	vst v0;
	v0 =	vadd.s32 v55, v1;
	v1 =	vand.u32 $0xFFFFFFF0, v2;
	v2 =	vshra.s32 v57, $0x3  }
0x5c: {  	v29 =	vld [tilespmem:$0x1C0];
	[tilespmem:$0x320] =	vst v0;
	v0 =	vadd.s32 v56, v1;
	v1 =	vand.u32 $0xFFFFFFF0, v2;
	v2 =	vshra.s32 v59, $0x3  }
0x5d: {  	v3 =	vld [tilespmem:$0x1B0];
	[tilespmem:$0x330] =	vst v0;
	v0 =	vadd.s32 v58, v1;
	v1 =	vand.u32 $0xFFFFFFF0, v2;
	v2 =	vshra.s32 v61, $0x3  }
0x5e: {  	v32 =	vld [tilespmem:$0x5D0];
	[tilespmem:$0x340] =	vst v0;
	v0 =	vadd.s32 v60, v1;
	v1 =	vand.u32 $0xFFFFFFF0, v2;
	v2 =	vshra.s32 v63, $0x3  }
0x5f: {  	v31 =	vld [tilespmem:$0x1D0];
	[tilespmem:$0x350] =	vst v0;
	v0 =	vadd.s32 v62, v1;
	v1 =	vand.u32 $0xFFFFFFF0, v2;
	v2 =	vshra.s32 v22, $0x3  }
0x60: {  	v33 =	vld [tilespmem:$0x1E0];
	[tilespmem:$0x360] =	vst v0;
	v0 =	vadd.s32 v21, v1;
	v1 =	vand.u32 $0xFFFFFFF0, v2;
	v2 =	vshra.s32 v24, $0x3  }
0x61: {  	v34 =	vld [tilespmem:$0x1F0];
	[tilespmem:$0x370] =	vst v0;
	v0 =	vadd.s32 v23, v1;
	v1 =	vand.u32 $0xFFFFFFF0, v2;
	v2 =	vshra.s32 v26, $0x3  }
0x62: {  	[tilespmem:$0x380] =	vst v0;
	v0 =	vadd.s32 v25, v1;
	v1 =	vand.u32 $0xFFFFFFF0, v2;
	v2 =	vshra.s32 v3, $0x3;
	v3 =	vld [tilespmem:$0x5E0]  }
0x63: {  	v35 =	vld [tilespmem:$0x5F0];
	[tilespmem:$0x390] =	vst v0;
	v0 =	vadd.s32 v27, v1;
	v1 =	vand.u32 $0xFFFFFFF0, v2;
	v2 =	vshra.s32 v29, $0x3  }
0x64: {  	[tilespmem:$0x3A0] =	vst v0;
	v0 =	vadd.s32 v28, v1;
	v1 =	vand.u32 $0xFFFFFFF0, v2;
	v2 =	vshra.s32 v31, $0x3  }
0x65: {  	[tilespmem:$0x3B0] =	vst v0;
	v0 =	vadd.s32 v30, v1;
	v1 =	vand.u32 $0xFFFFFFF0, v2;
	v2 =	vshra.s32 v33, $0x3  }
0x66: {  	[tilespmem:$0x3C0] =	vst v0;
	v0 =	vadd.s32 v32, v1;
	v1 =	vand.u32 $0xFFFFFFF0, v2;
	v2 =	vshra.s32 v34, $0x3  }
0x67: {  	[tilespmem:$0x3D0] =	vst v0;
	v0 =	vadd.s32 v3, v1;
	v1 =	vand.u32 $0xFFFFFFF0, v2  }
0x68: {  	[tilespmem:$0x3E0] =	vst v0;
	v0 =	vadd.s32 v35, v1  }
0x69: {  	[tilespmem:$0x3F0] =	vst v0  }
0x6a: {  	[tilespmem:s17], [sflag:$0x1] =	stream.indirect.gather [hbm4b:s3+s12], $0x80, s16, s12, $0xb8;
	[tilespmem:$0x10800] =	vst v63  }
0x6b: {  	_ = 	snop  }
0x6c: {  	[tilespmem:s19], [sflag:$0x1] =	stream.indirect.gather [hbm4b:s3+s12], $0x80, s18, s12, $0xb8;
	[tilespmem:$0x10800] =	vst v63  }
0x6d: {  	_ = 	snop  }
0x6e: {  	[tilespmem:s21], [sflag:$0x1] =	stream.indirect.gather [hbm4b:s3+s12], $0x80, s20, s12, $0xb8;
	[tilespmem:$0x10800] =	vst v63  }
0x6f: {  	_ = 	snop  }
0x70: {  	[tilespmem:s23], [sflag:$0x1] =	stream.indirect.gather [hbm4b:s3+s12], $0x80, s22, s12, $0xb8;
	[tilespmem:$0x10800] =	vst v63  }
0x71: {  	_ =	swait.ge [sflag:s24], $0x4000  }
0x72: {  	[sflag:s24] =	ssyncset.done $0x0  }
0x73: {  	[sflag:s24] =	ssyncadd.s32 $0xFFFFC000  }
0x74: {  	_ =	swait.ge [sflag:s24], $0x4000  }
0x75: {  	[sflag:s24] =	ssyncset.done $0x0  }
0x76: {  	[sflag:s24] =	ssyncadd.s32 $0xFFFFC000  }
0x77: {  	_ =	swait.ge [sflag:s24], $0x4000  }
0x78: {  	[sflag:s24] =	ssyncset.done $0x0  }
0x79: {  	[sflag:s24] =	ssyncadd.s32 $0xFFFFC000  }
0x7a: {  	s15 =	sand.u32 $0x600, s2;
	_ =	swait.ge [sflag:s24], $0x4000  }
0x7b: {  	s1 =	sand.u32 $0x70, s2;
	s0 =	sshrl.u32 s15, $0x2;
	[sflag:s24] =	ssyncset.done $0x0  }
0x7c: {  	s0 =	sor.u32 s1, s0;
	[sflag:s24] =	ssyncadd.s32 $0xFFFFC000  }
0x7d: {  	v0 =	vld [tilespmem:s0+$0x0];
	_ =	sdelay $0x4  }
0x7e: {  	(v2sf) =	vpush v0, $0x0  }
0x7f: {  	(v2sf) =	vpush v0, $0x1  }
0x80: {  	(v2sf) =	vpush v0, $0x2  }
0x81: {  	(v2sf) =	vpush v0, $0x3  }
0x82: {  	(v2sf) =	vpush v0, $0x4  }
0x83: {  	(v2sf) =	vpush v0, $0x5  }
0x84: {  	(v2sf) =	vpush v0, $0x6  }
0x85: {  	(v2sf) =	vpush v0, $0x7  }
0x86: {  	(v2sf) =	vpush v0, $0x8  }
0x87: {  	(v2sf) =	vpush v0, $0x9  }
0x88: {  	(v2sf) =	vpush v0, $0xA  }
0x89: {  	(v2sf) =	vpush v0, $0xB  }
0x8a: {  	(v2sf) =	vpush v0, $0xC  }
0x8b: {  	(v2sf) =	vpush v0, $0xD  }
0x8c: {  	(v2sf) =	vpush v0, $0xE  }
0x8d: {  	s14 =	spop (v2sf);
	(v2sf) =	vpush v0, $0xF  }
0x8e: {  	s0 =	sand.u32 $0x70, s14;
	s15 =	spop (v2sf)  }
0x8f: {  	s0 =	sadd.s32 $0x0, s0;
	s1 =	sand.u32 $0x70, s15;
	s14 =	spop (v2sf)  }
0x90: {  	v1 =	vld [tilespmem:s0+$0x600];
	s1 =	sadd.s32 $0x0, s1;
	s14 =	sand.u32 $0x70, s14;
	s15 =	spop (v2sf)  }
0x91: {  	v2 =	vld [tilespmem:s1+$0x680];
	s1 =	sadd.s32 $0x0, s14;
	s14 =	sand.u32 $0x70, s15;
	s15 =	spop (v2sf)  }
0x92: {  	v3 =	vld [tilespmem:s1+$0x700];
	s1 =	sadd.s32 $0x0, s14;
	s14 =	sand.u32 $0x70, s15;
	s15 =	spop (v2sf)  }
0x93: {  	v36 =	vld [tilespmem:s1+$0x780];
	s1 =	sadd.s32 $0x0, s14;
	s14 =	sand.u32 $0x70, s15;
	s15 =	spop (v2sf)  }
0x94: {  	v37 =	vbroadcast v0, $0x0;
	v38 =	vbroadcast v0, $0x1;
	v39 =	vld [tilespmem:s1+$0x800];
	s1 =	sadd.s32 $0x0, s14;
	s14 =	sand.u32 $0x70, s15;
	s15 =	spop (v2sf)  }
0x95: {  	v40 =	vbroadcast v0, $0x2;
	v41 =	vbroadcast v0, $0x3;
	v42 =	vld [tilespmem:s1+$0x880];
	s1 =	sadd.s32 $0x0, s14;
	s14 =	sand.u32 $0x70, s15;
	s15 =	spop (v2sf)  }
0x96: {  	v1 =	vperm.xlane v1, v37;
	v2 =	vperm.xlane v2, v38;
	v43 =	vld [tilespmem:s1+$0x900];
	s1 =	sadd.s32 $0x0, s14;
	s14 =	sand.u32 $0x70, s15;
	s15 =	spop (v2sf)  }
0x97: {  	v44 =	vbroadcast v0, $0x4;
	v3 =	vperm.xlane v3, v40;
	v45 =	vld [tilespmem:s1+$0x980];
	s1 =	sadd.s32 $0x0, s14;
	s14 =	sand.u32 $0x70, s15;
	s15 =	spop (v2sf)  }
0x98: {  	v46 =	vbroadcast v0, $0x5;
	v1 =	vsel vm0, v1, v2;
	v2 =	vperm.xlane v36, v41;
	v47 =	vld [tilespmem:s1+$0xA00];
	s1 =	sadd.s32 $0x0, s14;
	s14 =	sand.u32 $0x70, s15;
	s15 =	spop (v2sf)  }
0x99: {  	v48 =	vbroadcast v0, $0x6;
	v1 =	vsel vm1, v1, v3;
	v3 =	vperm.xlane v39, v44;
	v49 =	vld [tilespmem:s1+$0xA80];
	s1 =	sadd.s32 $0x0, s14;
	s14 =	sand.u32 $0x70, s15;
	s15 =	spop (v2sf)  }
0x9a: {  	v50 =	vbroadcast v0, $0x7;
	v1 =	vsel vm2, v1, v2;
	v2 =	vperm.xlane v42, v46;
	v51 =	vld [tilespmem:s1+$0xB00];
	s1 =	sadd.s32 $0x0, s14;
	s14 =	sand.u32 $0x70, s15;
	s15 =	spop (v2sf)  }
0x9b: {  	v52 =	vbroadcast v0, $0x8;
	v1 =	vsel vm3, v1, v3;
	v3 =	vperm.xlane v43, v48;
	v53 =	vld [tilespmem:s1+$0xB80];
	s1 =	sadd.s32 $0x0, s14;
	s14 =	sand.u32 $0x70, s15;
	s15 =	spop (v2sf)  }
0x9c: {  	v54 =	vbroadcast v0, $0x9;
	v1 =	vsel vm4, v1, v2;
	v2 =	vperm.xlane v45, v50;
	v55 =	vld [tilespmem:s1+$0xC00];
	s1 =	sadd.s32 $0x0, s14;
	s14 =	sand.u32 $0x70, s15;
	s15 =	spop (v2sf)  }
0x9d: {  	v56 =	vbroadcast v0, $0xA;
	v1 =	vsel vm5, v1, v3;
	v3 =	vperm.xlane v47, v52;
	v57 =	vld [tilespmem:s1+$0xC80];
	s1 =	sadd.s32 $0x0, s14;
	s15 =	sand.u32 $0x70, s15  }
0x9e: {  	v58 =	vbroadcast v0, $0xB;
	v1 =	vsel vm6, v1, v2;
	v2 =	vperm.xlane v49, v54;
	v59 =	vld [tilespmem:s1+$0xD00];
	s14 =	sadd.s32 $0x0, s15  }
0x9f: {  	v60 =	vbroadcast v0, $0xC;
	v1 =	vsel vm7, v1, v3;
	v3 =	vperm.xlane v51, v56;
	v61 =	vld [tilespmem:s14+$0xD80]  }
0xa0: {  	v62 =	vbroadcast v0, $0xD;
	v1 =	vsel vm8, v1, v2;
	v2 =	vperm.xlane v53, v58  }
0xa1: {  	v63 =	vbroadcast v0, $0xE;
	v1 =	vsel vm9, v1, v3;
	v3 =	vperm.xlane v55, v60  }
0xa2: {  	v0 =	vbroadcast v0, $0xF;
	v1 =	vsel vm10, v1, v2;
	v2 =	vperm.xlane v57, v62  }
0xa3: {  	v1 =	vsel vm11, v1, v3;
	v3 =	vperm.xlane v59, v63  }
0xa4: {  	s28 =	simm.s32 $0x40;
	s29 =	simm.s32 $0x10;
	v1 =	vsel vm12, v1, v2;
	v0 =	vperm.xlane v61, v0  }
0xa5: {  	s30 =	simm.s32 $0x4000;
	s31 =	sand.u32 $0x70, s29;
	s15 =	sand.u32 $0x600, s28;
	v1 =	vsel vm13, v1, v3  }
0xa6: {  	s0 =	simm.s32 $0x2000;
	s1 =	simm.s32 $0x0;
	s14 =	sshrl.u32 s15, $0x2;
	v0 =	vsel vm14, v1, v0  }
.LBB2_2:
0xa7: {  	p0 =	sne.s32 s30, $0x3E000;
	s14 =	sor.u32 s31, s14;
	[tilespmem:s1+$0x10600] =	vst v0;
	s31 =	smov.u32 s28  }
0xa8: {  	v0 =	vld [tilespmem:s14+$0x0];
	_ =	sdelay $0x4  }
0xa9: {  	(v2sf) =	vpush v0, $0x0  }
0xaa: {  	(v2sf) =	vpush v0, $0x1  }
0xab: {  	(v2sf) =	vpush v0, $0x2  }
0xac: {  	(v2sf) =	vpush v0, $0x3  }
0xad: {  	(v2sf) =	vpush v0, $0x4  }
0xae: {  	(v2sf) =	vpush v0, $0x5  }
0xaf: {  	(v2sf) =	vpush v0, $0x6  }
0xb0: {  	(v2sf) =	vpush v0, $0x7  }
0xb1: {  	(v2sf) =	vpush v0, $0x8  }
0xb2: {  	(v2sf) =	vpush v0, $0x9  }
0xb3: {  	(v2sf) =	vpush v0, $0xA  }
0xb4: {  	(v2sf) =	vpush v0, $0xB  }
0xb5: {  	(v2sf) =	vpush v0, $0xC  }
0xb6: {  	(v2sf) =	vpush v0, $0xD  }
0xb7: {  	(v2sf) =	vpush v0, $0xE  }
0xb8: {  	s1 =	spop (v2sf);
	(v2sf) =	vpush v0, $0xF  }
0xb9: {  	s14 =	sand.u32 $0x70, s1;
	s1 =	sshra.s32 s0, $0x2;
	s0 =	spop (v2sf)  }
0xba: {  	s14 =	sadd.s32 s1, s14;
	s0 =	sand.u32 $0x70, s0;
	s15 =	spop (v2sf)  }
0xbb: {  	v1 =	vld [tilespmem:s14+$0x600];
	s0 =	sadd.s32 s1, s0;
	s14 =	sand.u32 $0x70, s15;
	s15 =	spop (v2sf)  }
0xbc: {  	v2 =	vld [tilespmem:s0+$0x680];
	s0 =	sadd.s32 s1, s14;
	s14 =	sand.u32 $0x70, s15;
	s15 =	spop (v2sf)  }
0xbd: {  	v3 =	vld [tilespmem:s0+$0x700];
	s0 =	sadd.s32 s1, s14;
	s14 =	sand.u32 $0x70, s15;
	s15 =	spop (v2sf)  }
0xbe: {  	v4 =	vld [tilespmem:s0+$0x780];
	s0 =	sadd.s32 s1, s14;
	s14 =	sand.u32 $0x70, s15;
	s15 =	spop (v2sf)  }
0xbf: {  	v5 =	vbroadcast v0, $0x0;
	v6 =	vbroadcast v0, $0x1;
	v7 =	vld [tilespmem:s0+$0x800];
	s0 =	sadd.s32 s1, s14;
	s14 =	sand.u32 $0x70, s15;
	s15 =	spop (v2sf)  }
0xc0: {  	v8 =	vbroadcast v0, $0x2;
	v9 =	vbroadcast v0, $0x3;
	v10 =	vld [tilespmem:s0+$0x880];
	s0 =	sadd.s32 s1, s14;
	s14 =	sand.u32 $0x70, s15;
	s15 =	spop (v2sf)  }
0xc1: {  	v1 =	vperm.xlane v1, v5;
	v2 =	vperm.xlane v2, v6;
	v5 =	vld [tilespmem:s0+$0x900];
	s0 =	sadd.s32 s1, s14;
	s14 =	sand.u32 $0x70, s15;
	s15 =	spop (v2sf)  }
0xc2: {  	v6 =	vbroadcast v0, $0x4;
	v3 =	vperm.xlane v3, v8;
	v8 =	vld [tilespmem:s0+$0x980];
	s0 =	sadd.s32 s1, s14;
	s14 =	sand.u32 $0x70, s15;
	s15 =	spop (v2sf)  }
0xc3: {  	v1 =	vsel vm0, v1, v2;
	v2 =	vperm.xlane v4, v9;
	v4 =	vbroadcast v0, $0x5;
	v9 =	vld [tilespmem:s0+$0xA00];
	s0 =	sadd.s32 s1, s14;
	s14 =	sand.u32 $0x70, s15;
	s15 =	spop (v2sf)  }
0xc4: {  	v1 =	vsel vm1, v1, v3;
	v3 =	vperm.xlane v7, v6;
	v6 =	vbroadcast v0, $0x6;
	v7 =	vld [tilespmem:s0+$0xA80];
	s0 =	sadd.s32 s1, s14;
	s14 =	sand.u32 $0x70, s15;
	s15 =	spop (v2sf)  }
0xc5: {  	v1 =	vsel vm2, v1, v2;
	v2 =	vperm.xlane v10, v4;
	v4 =	vbroadcast v0, $0x7;
	v10 =	vld [tilespmem:s0+$0xB00];
	s0 =	sadd.s32 s1, s14;
	s14 =	sand.u32 $0x70, s15;
	s15 =	spop (v2sf)  }
0xc6: {  	v1 =	vsel vm3, v1, v3;
	v3 =	vperm.xlane v5, v6;
	v5 =	vbroadcast v0, $0x8;
	v6 =	vld [tilespmem:s0+$0xB80];
	s0 =	sadd.s32 s1, s14;
	s14 =	sand.u32 $0x70, s15;
	s15 =	spop (v2sf)  }
0xc7: {  	v1 =	vsel vm4, v1, v2;
	v2 =	vperm.xlane v8, v4;
	v4 =	vbroadcast v0, $0x9;
	v8 =	vld [tilespmem:s0+$0xC00];
	s0 =	sadd.s32 s1, s14;
	s14 =	sand.u32 $0x70, s15;
	s15 =	spop (v2sf)  }
0xc8: {  	v1 =	vsel vm5, v1, v3;
	v3 =	vperm.xlane v9, v5;
	v5 =	vbroadcast v0, $0xA;
	v9 =	vld [tilespmem:s0+$0xC80];
	s14 =	sadd.s32 s1, s14;
	s15 =	sand.u32 $0x70, s15;
	s0 =	smov.u32 s30  }
0xc9: {  	v1 =	vsel vm6, v1, v2;
	v2 =	vperm.xlane v7, v4;
	v4 =	vbroadcast v0, $0xB;
	v7 =	vld [tilespmem:s14+$0xD00];
	s1 =	sadd.s32 s1, s15  }
0xca: {  	v1 =	vsel vm7, v1, v3;
	v3 =	vperm.xlane v10, v5;
	v5 =	vbroadcast v0, $0xC;
	v10 =	vld [tilespmem:s1+$0xD80]  }
0xcb: {  	v1 =	vsel vm8, v1, v2;
	v2 =	vperm.xlane v6, v4;
	v4 =	vbroadcast v0, $0xD  }
0xcc: {  	v1 =	vsel vm9, v1, v3;
	v3 =	vperm.xlane v8, v5;
	v5 =	vbroadcast v0, $0xE  }
.Ltmp0:
0xcd: {  	v0 =	vbroadcast v0, $0xF;
	v1 =	vsel vm10, v1, v2;
	v2 =	vperm.xlane v9, v4;
	(pc) =	sbr.rel @p0 .LBB2_2-.Ltmp0, $4  }
0xce: {  	v1 =	vsel vm11, v1, v3;
	v3 =	vperm.xlane v7, v5  }
0xcf: {  	s28 =	sadd.s32 $0x40, s28;
	v1 =	vsel vm12, v1, v2;
	v0 =	vperm.xlane v10, v0  }
0xd0: {  	s29 =	sadd.s32 $0x10, s29;
	s14 =	sand.u32 $0x600, s28;
	s1 =	sshra.s32 s31, $0x2;
	v1 =	vsel vm13, v1, v3  }
0xd1: {  	s30 =	sadd.s32 $0x2000, s30;
	s31 =	sand.u32 $0x70, s29;
	s14 =	sshrl.u32 s14, $0x2;
	v0 =	vsel vm14, v1, v0  }
0xd2: {  	s14 =	sor.u32 s31, s14;
	[tilespmem:s1+$0x10600] =	vst v0  }
0xd3: {  	v0 =	vld [tilespmem:s14+$0x0];
	_ =	sdelay $0x4  }
0xd4: {  	(v2sf) =	vpush v0, $0x0  }
0xd5: {  	(v2sf) =	vpush v0, $0x1  }
0xd6: {  	(v2sf) =	vpush v0, $0x2  }
0xd7: {  	(v2sf) =	vpush v0, $0x3  }
0xd8: {  	(v2sf) =	vpush v0, $0x4  }
0xd9: {  	(v2sf) =	vpush v0, $0x5  }
0xda: {  	(v2sf) =	vpush v0, $0x6  }
0xdb: {  	(v2sf) =	vpush v0, $0x7  }
0xdc: {  	(v2sf) =	vpush v0, $0x8  }
0xdd: {  	(v2sf) =	vpush v0, $0x9  }
0xde: {  	(v2sf) =	vpush v0, $0xA  }
0xdf: {  	(v2sf) =	vpush v0, $0xB  }
0xe0: {  	(v2sf) =	vpush v0, $0xC  }
0xe1: {  	(v2sf) =	vpush v0, $0xD  }
0xe2: {  	(v2sf) =	vpush v0, $0xE  }
0xe3: {  	s14 =	spop (v2sf);
	(v2sf) =	vpush v0, $0xF  }
0xe4: {  	s0 =	sshra.s32 s0, $0x2;
	s1 =	sand.u32 $0x70, s14;
	s15 =	spop (v2sf)  }
0xe5: {  	s1 =	sadd.s32 s0, s1;
	s14 =	sand.u32 $0x70, s15;
	s15 =	spop (v2sf)  }
0xe6: {  	v1 =	vld [tilespmem:s1+$0x600];
	s29 =	sadd.s32 s0, s14;
	s30 =	sand.u32 $0x70, s15;
	s31 =	spop (v2sf)  }
0xe7: {  	v2 =	vld [tilespmem:s29+$0x680];
	s29 =	sadd.s32 s0, s30;
	s30 =	sand.u32 $0x70, s31;
	s31 =	spop (v2sf)  }
0xe8: {  	v3 =	vld [tilespmem:s29+$0x700];
	s29 =	sadd.s32 s0, s30;
	s30 =	sand.u32 $0x70, s31;
	s31 =	spop (v2sf)  }
0xe9: {  	v4 =	vld [tilespmem:s29+$0x780];
	s29 =	sadd.s32 s0, s30;
	s30 =	sand.u32 $0x70, s31;
	s31 =	spop (v2sf)  }
0xea: {  	v5 =	vbroadcast v0, $0x0;
	v6 =	vbroadcast v0, $0x1;
	v7 =	vld [tilespmem:s29+$0x800];
	s29 =	sadd.s32 s0, s30;
	s30 =	sand.u32 $0x70, s31;
	s31 =	spop (v2sf)  }
0xeb: {  	v8 =	vbroadcast v0, $0x2;
	v9 =	vbroadcast v0, $0x3;
	v10 =	vld [tilespmem:s29+$0x880];
	s29 =	sadd.s32 s0, s30;
	s30 =	sand.u32 $0x70, s31;
	s31 =	spop (v2sf)  }
0xec: {  	v1 =	vperm.xlane v1, v5;
	v2 =	vperm.xlane v2, v6;
	v31 =	vld [tilespmem:s29+$0x900];
	s29 =	sadd.s32 s0, s30;
	s30 =	sand.u32 $0x70, s31;
	s31 =	spop (v2sf)  }
0xed: {  	v32 =	vbroadcast v0, $0x4;
	v3 =	vperm.xlane v3, v8;
	v33 =	vld [tilespmem:s29+$0x980];
	s29 =	sadd.s32 s0, s30;
	s30 =	sand.u32 $0x70, s31;
	s31 =	spop (v2sf)  }
0xee: {  	v35 =	vbroadcast v0, $0x5;
	v1 =	vsel vm0, v1, v2;
	v34 =	vperm.xlane v4, v9;
	v36 =	vld [tilespmem:s29+$0xA00];
	s29 =	sadd.s32 s0, s30;
	s30 =	sand.u32 $0x70, s31;
	s31 =	spop (v2sf)  }
0xef: {  	v38 =	vbroadcast v0, $0x6;
	v1 =	vsel vm1, v1, v3;
	v37 =	vperm.xlane v7, v32;
	v39 =	vld [tilespmem:s29+$0xA80];
	s29 =	sadd.s32 s0, s30;
	s30 =	sand.u32 $0x70, s31;
	s31 =	spop (v2sf)  }
0xf0: {  	v41 =	vbroadcast v0, $0x7;
	v1 =	vsel vm2, v1, v34;
	v40 =	vperm.xlane v10, v35;
	v42 =	vld [tilespmem:s29+$0xB00];
	s29 =	sadd.s32 s0, s30;
	s30 =	sand.u32 $0x70, s31;
	s31 =	spop (v2sf)  }
0xf1: {  	v44 =	vbroadcast v0, $0x8;
	v1 =	vsel vm3, v1, v37;
	v43 =	vperm.xlane v31, v38;
	v45 =	vld [tilespmem:s29+$0xB80];
	s29 =	sadd.s32 s0, s30;
	s30 =	sand.u32 $0x70, s31;
	s31 =	spop (v2sf)  }
0xf2: {  	v47 =	vbroadcast v0, $0x9;
	v1 =	vsel vm4, v1, v40;
	v46 =	vperm.xlane v33, v41;
	v48 =	vld [tilespmem:s29+$0xC00];
	s29 =	sadd.s32 s0, s30;
	s30 =	sand.u32 $0x70, s31;
	s31 =	spop (v2sf)  }
0xf3: {  	v50 =	vbroadcast v0, $0xA;
	v1 =	vsel vm5, v1, v43;
	v49 =	vperm.xlane v36, v44;
	v51 =	vld [tilespmem:s29+$0xC80];
	s29 =	sadd.s32 s0, s30;
	s30 =	sand.u32 $0x70, s31  }
0xf4: {  	v53 =	vbroadcast v0, $0xB;
	v1 =	vsel vm6, v1, v46;
	v52 =	vperm.xlane v39, v47;
	v54 =	vld [tilespmem:s29+$0xD00];
	s0 =	sadd.s32 s0, s30  }
0xf5: {  	v56 =	vbroadcast v0, $0xC;
	v1 =	vsel vm7, v1, v49;
	v55 =	vperm.xlane v42, v50;
	v57 =	vld [tilespmem:s0+$0xD80]  }
0xf6: {  	v59 =	vbroadcast v0, $0xD;
	v1 =	vsel vm8, v1, v52;
	v58 =	vperm.xlane v45, v53  }
0xf7: {  	v61 =	vbroadcast v0, $0xE;
	v1 =	vsel vm9, v1, v55;
	v60 =	vperm.xlane v48, v56  }
0xf8: {  	v0 =	vbroadcast v0, $0xF;
	v1 =	vsel vm10, v1, v58;
	v62 =	vperm.xlane v51, v59  }
0xf9: {  	v1 =	vsel vm11, v1, v60;
	v63 =	vperm.xlane v54, v61  }
0xfa: {  	v1 =	vsel vm12, v1, v62;
	v0 =	vperm.xlane v57, v0  }
0xfb: {  	s26 =	sadd.s32 $0x1, s26;
	v1 =	vsel vm13, v1, v63  }
0xfc: {  	p0 =	sne.s32 s26, s10;
	s31 =	sshra.s32 s28, $0x2;
	v0 =	vsel vm14, v1, v0  }
.Ltmp1:
0xfd: {  	[tilespmem:s31+$0x10600] =	vst v0;
	(pc) =	sbr.rel @p0 .LBB2_1-.Ltmp1, $4  }
0xfe: {  	[hbm4b:s9+s2] =	stream.linear.scatter [tilespmem:s25], [sflag:$0x2], $0x200, $0x38;
	[tilespmem:$0x10800] =	vst v63  }
0xff: {  	_ =	swait.ge [sflag:s11], $0x200  }
0x100: {  	[sflag:s11] =	ssyncset.done $0x0  }
0x101: {  	[sflag:s11] =	ssyncadd.s32 $0xFFFFFE00  }
0x102: {  	_ =	sfence.sel $0x180000  }
0x103: {  	[bflag:$0x0] =	sbarrier.arrive $0xFFFF  }
0x104: {  	_ =	strace $0x90000047  }
0x105: {  	s0 =	stileid.u32;
	[bflag:$0x2] =	sbarrier.arrive $0xFFFF  }
0x106: {  	p0 =	sne.s32 s0, $0x0;
	s0 =	rddreg [dreg:$0x3]  }
0x107: {  	s0 =	sadd.s32 @!p0 $0x100000, s0  }
0x108: {  	[sflag:s0] =	ssyncadd.tile.s32 @!p0 $0x1;
	_ =	shalt  }
.Lfunc_end2:
_tile_overlayer_lowered:
.L_overlay_start_2:
0x109: {  	(tag) =	ssettag $0x2  }
0x10a: {  	s0 =	rddreg [dreg:$0x0];
	s2 =	stileid.u32  }
0x10b: {  	s1 =	rddreg [dreg:$0x1];
	p0 =	sne.s32 s2, $0x0  }
0x10c: {  	s3 =	rddreg [dreg:$0x2];
	[bflag:$0x3] =	sbarrier.arrive $0xFFFF;
	s2 =	simm.s32 @!p0 $0x1C02  }
0x10d: {  	[timem:s3], [sflag:s2] =	dma.local @!p0 [hbm:s0], s1  }
0x10e: {  	s0 =	simm.s32 @!p0 $0x2  }
0x10f: {  	_ =	swait.ge @!p0 [sflag:s0], s1  }
0x110: {  	s1 =	ssub.s32 @!p0 $0x0, s1;
	[sflag:s0] =	ssyncset.done @!p0 $0x0  }
0x111: {  	[sflag:s0] =	ssyncadd.s32 @!p0 s1  }
0x112: {  	[bflag:$0x3] =	sbarrier.arrive $0xFFFF  }
0x113: {  	_ =	shalt  }

</sc_bundles>
